<compile_context>
chip_gen: v7x
topology: tpu7x:2x2x1
jax: 0.10.2.dev20260603
libtpu: 0.0.44.dev20260713+nightly
codegen_flags: <defaults>
</compile_context>

<pallas_src>
import functools

import jax
import jax.numpy as jnp
from jax import lax
from jax.experimental import pallas as pl
from jax.experimental.pallas import tpu as pltpu
from jax.experimental.pallas import tpu_sc as plsc

SLOPE = 0.2
L = 16
NC = 2
NS = 16
NW = NC * NS
B = 128


def _matmul_scores_kernel(x_ref, w_ref, b_ref, wi_ref, s_ref):
    wi = jnp.dot(x_ref[...], w_ref[...], preferred_element_type=jnp.float32)
    wi_ref[...] = wi
    s_ref[...] = lax.dot_general(
        b_ref[...], wi, (((0,), (1,)), ((), ())),
        preferred_element_type=jnp.float32)


def _combine_kernel(p_ref, d_ref, o_ref):
    o_ref[...] = (p_ref[0] + p_ref[1]) / (d_ref[0] + d_ref[1])


def _quota(nout):
    return ((nout + NS - 1) // NS + 7) // 8 * 8


def _sc_mesh():
    return plsc.VectorSubcoreMesh(
        core_axis_name="c", subcore_axis_name="s",
        num_cores=NC, num_subcores=NS)


def _make_alpha_kernel(nout, nsc, nblk):
    q = _quota(nout)

    @functools.partial(
        pl.kernel,
        out_type=(
            jax.ShapeDtypeStruct((NW, nblk, B), jnp.float32),
            jax.ShapeDtypeStruct((NC * nout,), jnp.float32),
        ),
        mesh=_sc_mesh(),
        scratch_types=[
            pltpu.VMEM((nsc // 128, 128), jnp.float32),
            pltpu.VMEM((nsc // 128, 128), jnp.float32),
            pltpu.VMEM((nblk, B), jnp.int32),
            pltpu.VMEM((nblk, B), jnp.int32),
            pltpu.VMEM((nblk, B), jnp.float32),
            pltpu.VMEM((q,), jnp.float32),
            pltpu.VMEM_SHARED((nout,), jnp.float32),
            pltpu.SemaphoreType.DMA,
            pltpu.SemaphoreType.DMA,
        ],
        compiler_params=pltpu.CompilerParams(needs_layout_passes=False),
    )
    def alpha_kernel(s1_hbm, s2_hbm, src_hbm, dst_hbm,
                     alpha_hbm, denp_hbm,
                     s1v, s2v, srcv, dstv, alphav, zden, den_sh, sem, semd):
        c = lax.axis_index("c")
        s = lax.axis_index("s")
        w = s * NC + c
        r0 = jnp.minimum(s * q, nout - q)

        cp1 = pltpu.async_copy(s1_hbm, s1v, sem)
        cp2 = pltpu.async_copy(s2_hbm, s2v, sem)
        cp3 = pltpu.async_copy(src_hbm.at[w], srcv, sem)
        cp4 = pltpu.async_copy(dst_hbm.at[w], dstv, sem)

        for k in range(q // L):
            zden[pl.ds(k * L, L)] = jnp.zeros((L,), jnp.float32)
        pltpu.sync_copy(zden, den_sh.at[pl.ds(r0, q)])

        cp1.wait()
        cp2.wait()
        cp3.wait()
        cp4.wait()
        plsc.subcore_barrier()

        def blk1(j, carry):
            for r in range(B // L):
                si = srcv[j, pl.ds(r * L, L)]
                di = dstv[j, pl.ds(r * L, L)]
                a = (plsc.load_gather(s1v, [si >> 7, si & 127])
                     + plsc.load_gather(s2v, [di >> 7, di & 127]))
                a = jnp.where(a >= 0, a, SLOPE * a)
                alphav[j, pl.ds(r * L, L)] = jnp.exp(a)
            pltpu.async_copy(alphav.at[j], den_sh.at[srcv.at[j]], semd,
                             add=True)
            return carry
        lax.fori_loop(0, nblk, blk1, 0)

        pltpu.sync_copy(alphav, alpha_hbm.at[w])

        def drain(j, carry):
            pltpu.make_async_copy(alphav.at[j], den_sh.at[srcv.at[j]],
                                  semd).wait()
            return carry
        lax.fori_loop(0, nblk, drain, 0)
        plsc.subcore_barrier()

        pltpu.sync_copy(den_sh.at[pl.ds(r0, q)], zden)
        pltpu.sync_copy(zden, denp_hbm.at[pl.ds(c * nout + r0, q)])

    return alpha_kernel


def _make_rows_kernel(nout, d, nblk):
    q = _quota(nout)

    @functools.partial(
        pl.kernel,
        out_type=jax.ShapeDtypeStruct((NC, nout, d), jnp.float32),
        mesh=_sc_mesh(),
        scratch_types=[
            pltpu.VMEM((nblk, B), jnp.int32),
            pltpu.VMEM((nblk, B), jnp.int32),
            pltpu.VMEM((nblk, B), jnp.float32),
            pltpu.VMEM((B, d), jnp.float32),
            pltpu.VMEM_SHARED((nout, d), jnp.float32),
            pltpu.SemaphoreType.DMA,
        ],
        compiler_params=pltpu.CompilerParams(needs_layout_passes=False),
    )
    def rows_kernel(wi_hbm, src_hbm, dst_hbm, alpha_hbm, outp_hbm,
                    srcv, dstv, alphav, rows, out_sh, sem):
        c = lax.axis_index("c")
        s = lax.axis_index("s")
        w = s * NC + c
        r0 = jnp.minimum(s * q, nout - q)

        cp3 = pltpu.async_copy(src_hbm.at[w], srcv, sem)
        cp4 = pltpu.async_copy(dst_hbm.at[w], dstv, sem)
        cp5 = pltpu.async_copy(alpha_hbm.at[w], alphav, sem)

        def zrow_body(b, carry):
            for k in range(d // L):
                rows[b, pl.ds(k * L, L)] = jnp.zeros((L,), jnp.float32)
            return carry
        lax.fori_loop(0, B, zrow_body, 0)

        off = 0
        left = q
        while left > 0:
            csz = min(B, left)
            pltpu.sync_copy(rows.at[pl.ds(0, csz)],
                            out_sh.at[pl.ds(r0 + off, csz)])
            off += csz
            left -= csz

        cp3.wait()
        cp4.wait()
        cp5.wait()
        plsc.subcore_barrier()

        def blk2(j, carry):
            pltpu.async_copy(wi_hbm.at[dstv.at[j]], rows, sem).wait()
            jv = jnp.full((L,), j, jnp.int32)

            def row_body(b2, carry2):
                b = b2 * 2
                ab0 = plsc.load_gather(
                    alphav, [jv, jnp.full((L,), b, jnp.int32)])
                ab1 = plsc.load_gather(
                    alphav, [jv, jnp.full((L,), b + 1, jnp.int32)])
                for k in range(d // L):
                    rows[b, pl.ds(k * L, L)] = rows[b, pl.ds(k * L, L)] * ab0
                for k in range(d // L):
                    rows[b + 1, pl.ds(k * L, L)] = (
                        rows[b + 1, pl.ds(k * L, L)] * ab1)
                return carry2
            lax.fori_loop(0, B // 2, row_body, 0)
            pltpu.sync_copy(rows, out_sh.at[srcv.at[j]], add=True)
            return carry
        lax.fori_loop(0, nblk, blk2, 0)

        plsc.subcore_barrier()
        pltpu.sync_copy(out_sh.at[pl.ds(r0, q)],
                        outp_hbm.at[c, pl.ds(r0, q)])

    return rows_kernel


@jax.jit
def kernel(input_matrix, adjacency_coo_matrix, weights_matrix,
           attention_bias_vector):
    n, d = input_matrix.shape
    e = adjacency_coo_matrix.shape[1]

    nout = (n + 1 + 7) // 8 * 8
    trash = nout - 1
    nsc = (nout + 127) // 128 * 128
    ep = e + n
    nblk = (ep + NW * B - 1) // (NW * B)
    etot = NW * nblk * B

    x_pad = jnp.zeros((nsc, d), jnp.float32).at[:n].set(input_matrix)
    b2p = jnp.zeros((d, 8), jnp.float32)
    b2p = b2p.at[:, 0].set(attention_bias_vector[:d])
    b2p = b2p.at[:, 1].set(attention_bias_vector[d:])

    wi, s_out = pl.pallas_call(
        _matmul_scores_kernel,
        grid=(nsc // B,),
        in_specs=[
            pl.BlockSpec((B, d), lambda i: (i, 0)),
            pl.BlockSpec((d, d), lambda i: (0, 0)),
            pl.BlockSpec((d, 8), lambda i: (0, 0)),
        ],
        out_specs=[
            pl.BlockSpec((B, d), lambda i: (i, 0)),
            pl.BlockSpec((8, B), lambda i: (0, i)),
        ],
        out_shape=[
            jax.ShapeDtypeStruct((nsc, d), jnp.float32),
            jax.ShapeDtypeStruct((8, nsc), jnp.float32),
        ],
    )(x_pad, weights_matrix, b2p)
    s1 = s_out[0].reshape(nsc // 128, 128)
    s2 = s_out[1].reshape(nsc // 128, 128)

    self_idx = jnp.arange(n, dtype=jnp.int32)
    src = jnp.concatenate([
        adjacency_coo_matrix[0], self_idx,
        jnp.full((etot - ep,), trash, jnp.int32)])
    dst = jnp.concatenate([
        adjacency_coo_matrix[1], self_idx,
        jnp.zeros((etot - ep,), jnp.int32)])
    src3 = src.reshape(NW, nblk, B)
    dst3 = dst.reshape(NW, nblk, B)

    alpha, denp = _make_alpha_kernel(nout, nsc, nblk)(s1, s2, src3, dst3)

    outp = _make_rows_kernel(nout, d, nblk)(wi, src3, dst3, alpha)

    bs = 8
    for cand in range(256, 7, -8):
        if nout % cand == 0:
            bs = cand
            break
    out_pad = pl.pallas_call(
        _combine_kernel,
        grid=(nout // bs,),
        in_specs=[
            pl.BlockSpec((NC, bs, d), lambda i: (0, i, 0)),
            pl.BlockSpec((NC, bs, 1), lambda i: (0, i, 0)),
        ],
        out_specs=pl.BlockSpec((bs, d), lambda i: (i, 0)),
        out_shape=jax.ShapeDtypeStruct((nout, d), jnp.float32),
    )(outp, denp.reshape(NC, nout, 1))

    return out_pad[:n]

# --- scband reference (transcript-rebuilt; emitter-appended) ---
"""Pipeline reference for scband-gat-layer-7980049236118 (READ-ONLY COPY).

The authoritative reference and input builder live on the scoring server;
editing this copy changes nothing except your own understanding.
"""

import jax, jax.numpy as jnp
import numpy as np

N = 10000
D = 128
E = 320000
SLOPE = 0.2


def leaky_relu(x, slope=SLOPE):
    return jnp.where(x >= 0, x, slope * x)


def setup_inputs(seed: int = 0) -> dict:
    key = jax.random.key(seed)
    k1, k2, k3, k4 = jax.random.split(key, 4)
    input_matrix = jax.random.normal(k1, (N, D), dtype=jnp.float32)
    adjacency_coo_matrix = jax.random.randint(k2, (2, E), 0, N, dtype=jnp.int32)
    # xavier_uniform for weights_matrix [D, D]
    limit_w = float(np.sqrt(6.0 / (D + D)))
    weights_matrix = jax.random.uniform(k3, (D, D), minval=-limit_w, maxval=limit_w, dtype=jnp.float32)
    # attention bias vector [2*D]
    limit_b = float(np.sqrt(6.0 / (2 * D)))
    attention_bias_vector = jax.random.uniform(k4, (2 * D,), minval=-limit_b, maxval=limit_b, dtype=jnp.float32)
    return {
        "input_matrix": input_matrix,
        "adjacency_coo_matrix": adjacency_coo_matrix,
        "weights_matrix": weights_matrix,
        "attention_bias_vector": attention_bias_vector,
    }


def reference(input_matrix, adjacency_coo_matrix, weights_matrix, attention_bias_vector):
    n = input_matrix.shape[0]
    # add self edges (i, i) for every node
    self_idx = jnp.arange(n, dtype=adjacency_coo_matrix.dtype)
    adj = jnp.concatenate([adjacency_coo_matrix, jnp.stack([self_idx, self_idx], axis=0)], axis=1)
    weighted_inputs = input_matrix @ weights_matrix
    src = adj[0]
    dst = adj[1]
    nodes = jnp.take(weighted_inputs, src, axis=0)
    neighbors = jnp.take(weighted_inputs, dst, axis=0)
    alpha = jnp.concatenate([nodes, neighbors], axis=1) @ attention_bias_vector
    alpha = leaky_relu(alpha)
    alpha = jnp.exp(alpha)
    # per-source-node softmax normalization (scatter-add by src, gather back)
    neighbors_alpha_sum = jax.ops.segment_sum(alpha, src, num_segments=n)
    alpha = alpha / jnp.take(neighbors_alpha_sum, src, axis=0)
    weighted_neighbors = neighbors * alpha[:, None]
    out = jax.ops.segment_sum(weighted_neighbors, src, num_segments=n)
    return out

if __name__ == "__main__":
    import jax
    _d = setup_inputs()
    print(jax.jit(kernel)(*tuple(_d.values())))

</pallas_src>

<mosaic_0001>
#map = affine_map<(d0, d1) -> (0, 0)>
#map1 = affine_map<(d0, d1) -> (0, 0, 0)>
#map2 = affine_map<(d0, d1) -> (0)>
module attributes {stable_mosaic.version = 14 : i64} {
  func.func @alpha_kernel(%arg0: i32, %arg1: i32, %arg2: memref<79x128xf32, #tpu.memory_space<hbm>>, %arg3: memref<79x128xf32, #tpu.memory_space<hbm>>, %arg4: memref<32x81x128xi32, #tpu.memory_space<hbm>>, %arg5: memref<32x81x128xi32, #tpu.memory_space<hbm>>, %arg6: memref<32x81x128xf32, #tpu.memory_space<hbm>>, %arg7: memref<20016xf32, #tpu.memory_space<hbm>>, %arg8: memref<79x128xf32, #tpu.memory_space<vmem>>, %arg9: memref<79x128xf32, #tpu.memory_space<vmem>>, %arg10: memref<81x128xi32, #tpu.memory_space<vmem>>, %arg11: memref<81x128xi32, #tpu.memory_space<vmem>>, %arg12: memref<81x128xf32, #tpu.memory_space<vmem>>, %arg13: memref<632xf32, #tpu.memory_space<vmem>>, %arg14: memref<10008xf32, #tpu.memory_space<vmem_shared>>, %arg15: memref<!tpu.dma_semaphore, #tpu.memory_space<semaphore_mem>>, %arg16: memref<!tpu.dma_semaphore, #tpu.memory_space<semaphore_mem>>) attributes {dimension_semantics = [#tpu.dimension_semantics<core_parallel>, #tpu.dimension_semantics<subcore_parallel>], iteration_bounds = array<i64: 2, 16>, scalar_prefetch = 0 : i64, scratch_operands = 9 : i64, tpu.core_type = #tpu.core_type<sc_vector_subcore>, window_params = [{transform_indices = #map}, {transform_indices = #map}, {transform_indices = #map1}, {transform_indices = #map1}, {transform_indices = #map1}, {transform_indices = #map2}]} {
    %mul3A = arith.constant 2 : i32
    %mul3A_0 = arith.muli %arg1, %mul3A : i32
    %add3A = arith.addi %mul3A_0, %arg0 : i32
    %mul3A_1 = arith.constant 632 : i32
    %mul3A_2 = arith.muli %arg1, %mul3A_1 : i32
    %min3A = arith.constant 9376 : i32
    %min3A_3 = arith.minsi %mul3A_2, %min3A : i32
    tpu.enqueue_dma source(%arg2 : memref<79x128xf32, #tpu.memory_space<hbm>>) target(%arg8 : memref<79x128xf32, #tpu.memory_space<vmem>>) target_semaphore(%arg15 : memref<!tpu.dma_semaphore, #tpu.memory_space<semaphore_mem>>)
    tpu.enqueue_dma source(%arg3 : memref<79x128xf32, #tpu.memory_space<hbm>>) target(%arg9 : memref<79x128xf32, #tpu.memory_space<vmem>>) target_semaphore(%arg15 : memref<!tpu.dma_semaphore, #tpu.memory_space<semaphore_mem>>)
    %dma_start3A = arith.constant 0 : i32
    %dma_start3A_4 = arith.constant 0 : i32
    %dma_start3A_5 = tpu.memref_slice %arg4[%add3A, %dma_start3A, %dma_start3A_4] : memref<32x81x128xi32, #tpu.memory_space<hbm>> -> memref<1x81x128xi32, #tpu.memory_space<hbm>>
    %dma_start3A_6 = tpu.memref_squeeze %dma_start3A_5 : memref<1x81x128xi32, #tpu.memory_space<hbm>> -> memref<81x128xi32, #tpu.memory_space<hbm>>
    %dma_start3A_7 = arith.constant 0 : i32
    %dma_start3A_8 = arith.constant 0 : i32
    %dma_start3A_9 = tpu.memref_slice %arg4[%add3A, %dma_start3A_7, %dma_start3A_8] : memref<32x81x128xi32, #tpu.memory_space<hbm>> -> memref<1x81x128xi32, #tpu.memory_space<hbm>>
    %dma_start3A_10 = tpu.memref_squeeze %dma_start3A_9 : memref<1x81x128xi32, #tpu.memory_space<hbm>> -> memref<81x128xi32, #tpu.memory_space<hbm>>
    tpu.enqueue_dma source(%dma_start3A_10 : memref<81x128xi32, #tpu.memory_space<hbm>>) target(%arg10 : memref<81x128xi32, #tpu.memory_space<vmem>>) target_semaphore(%arg15 : memref<!tpu.dma_semaphore, #tpu.memory_space<semaphore_mem>>)
    %dma_start3A_11 = arith.constant 0 : i32
    %dma_start3A_12 = arith.constant 0 : i32
    %dma_start3A_13 = tpu.memref_slice %arg5[%add3A, %dma_start3A_11, %dma_start3A_12] : memref<32x81x128xi32, #tpu.memory_space<hbm>> -> memref<1x81x128xi32, #tpu.memory_space<hbm>>
    %dma_start3A_14 = tpu.memref_squeeze %dma_start3A_13 : memref<1x81x128xi32, #tpu.memory_space<hbm>> -> memref<81x128xi32, #tpu.memory_space<hbm>>
    %dma_start3A_15 = arith.constant 0 : i32
    %dma_start3A_16 = arith.constant 0 : i32
    %dma_start3A_17 = tpu.memref_slice %arg5[%add3A, %dma_start3A_15, %dma_start3A_16] : memref<32x81x128xi32, #tpu.memory_space<hbm>> -> memref<1x81x128xi32, #tpu.memory_space<hbm>>
    %dma_start3A_18 = tpu.memref_squeeze %dma_start3A_17 : memref<1x81x128xi32, #tpu.memory_space<hbm>> -> memref<81x128xi32, #tpu.memory_space<hbm>>
    tpu.enqueue_dma source(%dma_start3A_18 : memref<81x128xi32, #tpu.memory_space<hbm>>) target(%arg11 : memref<81x128xi32, #tpu.memory_space<vmem>>) target_semaphore(%arg15 : memref<!tpu.dma_semaphore, #tpu.memory_space<semaphore_mem>>)
    %broadcast_in_dim3A = arith.constant 0.000000e+00 : f32
    %broadcast_in_dim3A_19 = vector.broadcast %broadcast_in_dim3A : f32 to vector<16xf32>
    %swap3A = arith.constant 0 : index
    %swap3A_20 = tpu.vector_load %arg13[%swap3A] {strides = array<i32>} : memref<632xf32, #tpu.memory_space<vmem>>, vector<16xf32>,
    tpu.vector_store %arg13[%swap3A], %broadcast_in_dim3A_19 {strides = array<i32>} : memref<632xf32, #tpu.memory_space<vmem>>, vector<16xf32>,
    %broadcast_in_dim3A_21 = arith.constant 0.000000e+00 : f32
    %broadcast_in_dim3A_22 = vector.broadcast %broadcast_in_dim3A_21 : f32 to vector<16xf32>
    %swap3A_23 = arith.constant 16 : index
    %swap3A_24 = tpu.vector_load %arg13[%swap3A_23] {strides = array<i32>} : memref<632xf32, #tpu.memory_space<vmem>>, vector<16xf32>,
    tpu.vector_store %arg13[%swap3A_23], %broadcast_in_dim3A_22 {strides = array<i32>} : memref<632xf32, #tpu.memory_space<vmem>>, vector<16xf32>,
    %broadcast_in_dim3A_25 = arith.constant 0.000000e+00 : f32
    %broadcast_in_dim3A_26 = vector.broadcast %broadcast_in_dim3A_25 : f32 to vector<16xf32>
    %swap3A_27 = arith.constant 32 : index
    %swap3A_28 = tpu.vector_load %arg13[%swap3A_27] {strides = array<i32>} : memref<632xf32, #tpu.memory_space<vmem>>, vector<16xf32>,
    tpu.vector_store %arg13[%swap3A_27], %broadcast_in_dim3A_26 {strides = array<i32>} : memref<632xf32, #tpu.memory_space<vmem>>, vector<16xf32>,
    %broadcast_in_dim3A_29 = arith.constant 0.000000e+00 : f32
    %broadcast_in_dim3A_30 = vector.broadcast %broadcast_in_dim3A_29 : f32 to vector<16xf32>
    %swap3A_31 = arith.constant 48 : index
    %swap3A_32 = tpu.vector_load %arg13[%swap3A_31] {strides = array<i32>} : memref<632xf32, #tpu.memory_space<vmem>>, vector<16xf32>,
    tpu.vector_store %arg13[%swap3A_31], %broadcast_in_dim3A_30 {strides = array<i32>} : memref<632xf32, #tpu.memory_space<vmem>>, vector<16xf32>,
    %broadcast_in_dim3A_33 = arith.constant 0.000000e+00 : f32
    %broadcast_in_dim3A_34 = vector.broadcast %broadcast_in_dim3A_33 : f32 to vector<16xf32>
    %swap3A_35 = arith.constant 64 : index
    %swap3A_36 = tpu.vector_load %arg13[%swap3A_35] {strides = array<i32>} : memref<632xf32, #tpu.memory_space<vmem>>, vector<16xf32>,
    tpu.vector_store %arg13[%swap3A_35], %broadcast_in_dim3A_34 {strides = array<i32>} : memref<632xf32, #tpu.memory_space<vmem>>, vector<16xf32>,
    %broadcast_in_dim3A_37 = arith.constant 0.000000e+00 : f32
    %broadcast_in_dim3A_38 = vector.broadcast %broadcast_in_dim3A_37 : f32 to vector<16xf32>
    %swap3A_39 = arith.constant 80 : index
    %swap3A_40 = tpu.vector_load %arg13[%swap3A_39] {strides = array<i32>} : memref<632xf32, #tpu.memory_space<vmem>>, vector<16xf32>,
    tpu.vector_store %arg13[%swap3A_39], %broadcast_in_dim3A_38 {strides = array<i32>} : memref<632xf32, #tpu.memory_space<vmem>>, vector<16xf32>,
    %broadcast_in_dim3A_41 = arith.constant 0.000000e+00 : f32
    %broadcast_in_dim3A_42 = vector.broadcast %broadcast_in_dim3A_41 : f32 to vector<16xf32>
    %swap3A_43 = arith.constant 96 : index
    %swap3A_44 = tpu.vector_load %arg13[%swap3A_43] {strides = array<i32>} : memref<632xf32, #tpu.memory_space<vmem>>, vector<16xf32>,
    tpu.vector_store %arg13[%swap3A_43], %broadcast_in_dim3A_42 {strides = array<i32>} : memref<632xf32, #tpu.memory_space<vmem>>, vector<16xf32>,
    %broadcast_in_dim3A_45 = arith.constant 0.000000e+00 : f32
    %broadcast_in_dim3A_46 = vector.broadcast %broadcast_in_dim3A_45 : f32 to vector<16xf32>
    %swap3A_47 = arith.constant 112 : index
    %swap3A_48 = tpu.vector_load %arg13[%swap3A_47] {strides = array<i32>} : memref<632xf32, #tpu.memory_space<vmem>>, vector<16xf32>,
    tpu.vector_store %arg13[%swap3A_47], %broadcast_in_dim3A_46 {strides = array<i32>} : memref<632xf32, #tpu.memory_space<vmem>>, vector<16xf32>,
    %broadcast_in_dim3A_49 = arith.constant 0.000000e+00 : f32
    %broadcast_in_dim3A_50 = vector.broadcast %broadcast_in_dim3A_49 : f32 to vector<16xf32>
    %swap3A_51 = arith.constant 128 : index
    %swap3A_52 = tpu.vector_load %arg13[%swap3A_51] {strides = array<i32>} : memref<632xf32, #tpu.memory_space<vmem>>, vector<16xf32>,
    tpu.vector_store %arg13[%swap3A_51], %broadcast_in_dim3A_50 {strides = array<i32>} : memref<632xf32, #tpu.memory_space<vmem>>, vector<16xf32>,
    %broadcast_in_dim3A_53 = arith.constant 0.000000e+00 : f32
    %broadcast_in_dim3A_54 = vector.broadcast %broadcast_in_dim3A_53 : f32 to vector<16xf32>
    %swap3A_55 = arith.constant 144 : index
    %swap3A_56 = tpu.vector_load %arg13[%swap3A_55] {strides = array<i32>} : memref<632xf32, #tpu.memory_space<vmem>>, vector<16xf32>,
    tpu.vector_store %arg13[%swap3A_55], %broadcast_in_dim3A_54 {strides = array<i32>} : memref<632xf32, #tpu.memory_space<vmem>>, vector<16xf32>,
    %broadcast_in_dim3A_57 = arith.constant 0.000000e+00 : f32
    %broadcast_in_dim3A_58 = vector.broadcast %broadcast_in_dim3A_57 : f32 to vector<16xf32>
    %swap3A_59 = arith.constant 160 : index
    %swap3A_60 = tpu.vector_load %arg13[%swap3A_59] {strides = array<i32>} : memref<632xf32, #tpu.memory_space<vmem>>, vector<16xf32>,
    tpu.vector_store %arg13[%swap3A_59], %broadcast_in_dim3A_58 {strides = array<i32>} : memref<632xf32, #tpu.memory_space<vmem>>, vector<16xf32>,
    %broadcast_in_dim3A_61 = arith.constant 0.000000e+00 : f32
    %broadcast_in_dim3A_62 = vector.broadcast %broadcast_in_dim3A_61 : f32 to vector<16xf32>
    %swap3A_63 = arith.constant 176 : index
    %swap3A_64 = tpu.vector_load %arg13[%swap3A_63] {strides = array<i32>} : memref<632xf32, #tpu.memory_space<vmem>>, vector<16xf32>,
    tpu.vector_store %arg13[%swap3A_63], %broadcast_in_dim3A_62 {strides = array<i32>} : memref<632xf32, #tpu.memory_space<vmem>>, vector<16xf32>,
    %broadcast_in_dim3A_65 = arith.constant 0.000000e+00 : f32
    %broadcast_in_dim3A_66 = vector.broadcast %broadcast_in_dim3A_65 : f32 to vector<16xf32>
    %swap3A_67 = arith.constant 192 : index
    %swap3A_68 = tpu.vector_load %arg13[%swap3A_67] {strides = array<i32>} : memref<632xf32, #tpu.memory_space<vmem>>, vector<16xf32>,
    tpu.vector_store %arg13[%swap3A_67], %broadcast_in_dim3A_66 {strides = array<i32>} : memref<632xf32, #tpu.memory_space<vmem>>, vector<16xf32>,
    %broadcast_in_dim3A_69 = arith.constant 0.000000e+00 : f32
    %broadcast_in_dim3A_70 = vector.broadcast %broadcast_in_dim3A_69 : f32 to vector<16xf32>
    %swap3A_71 = arith.constant 208 : index
    %swap3A_72 = tpu.vector_load %arg13[%swap3A_71] {strides = array<i32>} : memref<632xf32, #tpu.memory_space<vmem>>, vector<16xf32>,
    tpu.vector_store %arg13[%swap3A_71], %broadcast_in_dim3A_70 {strides = array<i32>} : memref<632xf32, #tpu.memory_space<vmem>>, vector<16xf32>,
    %broadcast_in_dim3A_73 = arith.constant 0.000000e+00 : f32
    %broadcast_in_dim3A_74 = vector.broadcast %broadcast_in_dim3A_73 : f32 to vector<16xf32>
    %swap3A_75 = arith.constant 224 : index
    %swap3A_76 = tpu.vector_load %arg13[%swap3A_75] {strides = array<i32>} : memref<632xf32, #tpu.memory_space<vmem>>, vector<16xf32>,
    tpu.vector_store %arg13[%swap3A_75], %broadcast_in_dim3A_74 {strides = array<i32>} : memref<632xf32, #tpu.memory_space<vmem>>, vector<16xf32>,
    %broadcast_in_dim3A_77 = arith.constant 0.000000e+00 : f32
    %broadcast_in_dim3A_78 = vector.broadcast %broadcast_in_dim3A_77 : f32 to vector<16xf32>
    %swap3A_79 = arith.constant 240 : index
    %swap3A_80 = tpu.vector_load %arg13[%swap3A_79] {strides = array<i32>} : memref<632xf32, #tpu.memory_space<vmem>>, vector<16xf32>,
    tpu.vector_store %arg13[%swap3A_79], %broadcast_in_dim3A_78 {strides = array<i32>} : memref<632xf32, #tpu.memory_space<vmem>>, vector<16xf32>,
    %broadcast_in_dim3A_81 = arith.constant 0.000000e+00 : f32
    %broadcast_in_dim3A_82 = vector.broadcast %broadcast_in_dim3A_81 : f32 to vector<16xf32>
    %swap3A_83 = arith.constant 256 : index
    %swap3A_84 = tpu.vector_load %arg13[%swap3A_83] {strides = array<i32>} : memref<632xf32, #tpu.memory_space<vmem>>, vector<16xf32>,
    tpu.vector_store %arg13[%swap3A_83], %broadcast_in_dim3A_82 {strides = array<i32>} : memref<632xf32, #tpu.memory_space<vmem>>, vector<16xf32>,
    %broadcast_in_dim3A_85 = arith.constant 0.000000e+00 : f32
    %broadcast_in_dim3A_86 = vector.broadcast %broadcast_in_dim3A_85 : f32 to vector<16xf32>
    %swap3A_87 = arith.constant 272 : index
    %swap3A_88 = tpu.vector_load %arg13[%swap3A_87] {strides = array<i32>} : memref<632xf32, #tpu.memory_space<vmem>>, vector<16xf32>,
    tpu.vector_store %arg13[%swap3A_87], %broadcast_in_dim3A_86 {strides = array<i32>} : memref<632xf32, #tpu.memory_space<vmem>>, vector<16xf32>,
    %broadcast_in_dim3A_89 = arith.constant 0.000000e+00 : f32
    %broadcast_in_dim3A_90 = vector.broadcast %broadcast_in_dim3A_89 : f32 to vector<16xf32>
    %swap3A_91 = arith.constant 288 : index
    %swap3A_92 = tpu.vector_load %arg13[%swap3A_91] {strides = array<i32>} : memref<632xf32, #tpu.memory_space<vmem>>, vector<16xf32>,
    tpu.vector_store %arg13[%swap3A_91], %broadcast_in_dim3A_90 {strides = array<i32>} : memref<632xf32, #tpu.memory_space<vmem>>, vector<16xf32>,
    %broadcast_in_dim3A_93 = arith.constant 0.000000e+00 : f32
    %broadcast_in_dim3A_94 = vector.broadcast %broadcast_in_dim3A_93 : f32 to vector<16xf32>
    %swap3A_95 = arith.constant 304 : index
    %swap3A_96 = tpu.vector_load %arg13[%swap3A_95] {strides = array<i32>} : memref<632xf32, #tpu.memory_space<vmem>>, vector<16xf32>,
    tpu.vector_store %arg13[%swap3A_95], %broadcast_in_dim3A_94 {strides = array<i32>} : memref<632xf32, #tpu.memory_space<vmem>>, vector<16xf32>,
    %broadcast_in_dim3A_97 = arith.constant 0.000000e+00 : f32
    %broadcast_in_dim3A_98 = vector.broadcast %broadcast_in_dim3A_97 : f32 to vector<16xf32>
    %swap3A_99 = arith.constant 320 : index
    %swap3A_100 = tpu.vector_load %arg13[%swap3A_99] {strides = array<i32>} : memref<632xf32, #tpu.memory_space<vmem>>, vector<16xf32>,
    tpu.vector_store %arg13[%swap3A_99], %broadcast_in_dim3A_98 {strides = array<i32>} : memref<632xf32, #tpu.memory_space<vmem>>, vector<16xf32>,
    %broadcast_in_dim3A_101 = arith.constant 0.000000e+00 : f32
    %broadcast_in_dim3A_102 = vector.broadcast %broadcast_in_dim3A_101 : f32 to vector<16xf32>
    %swap3A_103 = arith.constant 336 : index
    %swap3A_104 = tpu.vector_load %arg13[%swap3A_103] {strides = array<i32>} : memref<632xf32, #tpu.memory_space<vmem>>, vector<16xf32>,
    tpu.vector_store %arg13[%swap3A_103], %broadcast_in_dim3A_102 {strides = array<i32>} : memref<632xf32, #tpu.memory_space<vmem>>, vector<16xf32>,
    %broadcast_in_dim3A_105 = arith.constant 0.000000e+00 : f32
    %broadcast_in_dim3A_106 = vector.broadcast %broadcast_in_dim3A_105 : f32 to vector<16xf32>
    %swap3A_107 = arith.constant 352 : index
    %swap3A_108 = tpu.vector_load %arg13[%swap3A_107] {strides = array<i32>} : memref<632xf32, #tpu.memory_space<vmem>>, vector<16xf32>,
    tpu.vector_store %arg13[%swap3A_107], %broadcast_in_dim3A_106 {strides = array<i32>} : memref<632xf32, #tpu.memory_space<vmem>>, vector<16xf32>,
    %broadcast_in_dim3A_109 = arith.constant 0.000000e+00 : f32
    %broadcast_in_dim3A_110 = vector.broadcast %broadcast_in_dim3A_109 : f32 to vector<16xf32>
    %swap3A_111 = arith.constant 368 : index
    %swap3A_112 = tpu.vector_load %arg13[%swap3A_111] {strides = array<i32>} : memref<632xf32, #tpu.memory_space<vmem>>, vector<16xf32>,
    tpu.vector_store %arg13[%swap3A_111], %broadcast_in_dim3A_110 {strides = array<i32>} : memref<632xf32, #tpu.memory_space<vmem>>, vector<16xf32>,
    %broadcast_in_dim3A_113 = arith.constant 0.000000e+00 : f32
    %broadcast_in_dim3A_114 = vector.broadcast %broadcast_in_dim3A_113 : f32 to vector<16xf32>
    %swap3A_115 = arith.constant 384 : index
    %swap3A_116 = tpu.vector_load %arg13[%swap3A_115] {strides = array<i32>} : memref<632xf32, #tpu.memory_space<vmem>>, vector<16xf32>,
    tpu.vector_store %arg13[%swap3A_115], %broadcast_in_dim3A_114 {strides = array<i32>} : memref<632xf32, #tpu.memory_space<vmem>>, vector<16xf32>,
    %broadcast_in_dim3A_117 = arith.constant 0.000000e+00 : f32
    %broadcast_in_dim3A_118 = vector.broadcast %broadcast_in_dim3A_117 : f32 to vector<16xf32>
    %swap3A_119 = arith.constant 400 : index
    %swap3A_120 = tpu.vector_load %arg13[%swap3A_119] {strides = array<i32>} : memref<632xf32, #tpu.memory_space<vmem>>, vector<16xf32>,
    tpu.vector_store %arg13[%swap3A_119], %broadcast_in_dim3A_118 {strides = array<i32>} : memref<632xf32, #tpu.memory_space<vmem>>, vector<16xf32>,
    %broadcast_in_dim3A_121 = arith.constant 0.000000e+00 : f32
    %broadcast_in_dim3A_122 = vector.broadcast %broadcast_in_dim3A_121 : f32 to vector<16xf32>
    %swap3A_123 = arith.constant 416 : index
    %swap3A_124 = tpu.vector_load %arg13[%swap3A_123] {strides = array<i32>} : memref<632xf32, #tpu.memory_space<vmem>>, vector<16xf32>,
    tpu.vector_store %arg13[%swap3A_123], %broadcast_in_dim3A_122 {strides = array<i32>} : memref<632xf32, #tpu.memory_space<vmem>>, vector<16xf32>,
    %broadcast_in_dim3A_125 = arith.constant 0.000000e+00 : f32
    %broadcast_in_dim3A_126 = vector.broadcast %broadcast_in_dim3A_125 : f32 to vector<16xf32>
    %swap3A_127 = arith.constant 432 : index
    %swap3A_128 = tpu.vector_load %arg13[%swap3A_127] {strides = array<i32>} : memref<632xf32, #tpu.memory_space<vmem>>, vector<16xf32>,
    tpu.vector_store %arg13[%swap3A_127], %broadcast_in_dim3A_126 {strides = array<i32>} : memref<632xf32, #tpu.memory_space<vmem>>, vector<16xf32>,
    %broadcast_in_dim3A_129 = arith.constant 0.000000e+00 : f32
    %broadcast_in_dim3A_130 = vector.broadcast %broadcast_in_dim3A_129 : f32 to vector<16xf32>
    %swap3A_131 = arith.constant 448 : index
    %swap3A_132 = tpu.vector_load %arg13[%swap3A_131] {strides = array<i32>} : memref<632xf32, #tpu.memory_space<vmem>>, vector<16xf32>,
    tpu.vector_store %arg13[%swap3A_131], %broadcast_in_dim3A_130 {strides = array<i32>} : memref<632xf32, #tpu.memory_space<vmem>>, vector<16xf32>,
    %broadcast_in_dim3A_133 = arith.constant 0.000000e+00 : f32
    %broadcast_in_dim3A_134 = vector.broadcast %broadcast_in_dim3A_133 : f32 to vector<16xf32>
    %swap3A_135 = arith.constant 464 : index
    %swap3A_136 = tpu.vector_load %arg13[%swap3A_135] {strides = array<i32>} : memref<632xf32, #tpu.memory_space<vmem>>, vector<16xf32>,
    tpu.vector_store %arg13[%swap3A_135], %broadcast_in_dim3A_134 {strides = array<i32>} : memref<632xf32, #tpu.memory_space<vmem>>, vector<16xf32>,
    %broadcast_in_dim3A_137 = arith.constant 0.000000e+00 : f32
    %broadcast_in_dim3A_138 = vector.broadcast %broadcast_in_dim3A_137 : f32 to vector<16xf32>
    %swap3A_139 = arith.constant 480 : index
    %swap3A_140 = tpu.vector_load %arg13[%swap3A_139] {strides = array<i32>} : memref<632xf32, #tpu.memory_space<vmem>>, vector<16xf32>,
    tpu.vector_store %arg13[%swap3A_139], %broadcast_in_dim3A_138 {strides = array<i32>} : memref<632xf32, #tpu.memory_space<vmem>>, vector<16xf32>,
    %broadcast_in_dim3A_141 = arith.constant 0.000000e+00 : f32
    %broadcast_in_dim3A_142 = vector.broadcast %broadcast_in_dim3A_141 : f32 to vector<16xf32>
    %swap3A_143 = arith.constant 496 : index
    %swap3A_144 = tpu.vector_load %arg13[%swap3A_143] {strides = array<i32>} : memref<632xf32, #tpu.memory_space<vmem>>, vector<16xf32>,
    tpu.vector_store %arg13[%swap3A_143], %broadcast_in_dim3A_142 {strides = array<i32>} : memref<632xf32, #tpu.memory_space<vmem>>, vector<16xf32>,
    %broadcast_in_dim3A_145 = arith.constant 0.000000e+00 : f32
    %broadcast_in_dim3A_146 = vector.broadcast %broadcast_in_dim3A_145 : f32 to vector<16xf32>
    %swap3A_147 = arith.constant 512 : index
    %swap3A_148 = tpu.vector_load %arg13[%swap3A_147] {strides = array<i32>} : memref<632xf32, #tpu.memory_space<vmem>>, vector<16xf32>,
    tpu.vector_store %arg13[%swap3A_147], %broadcast_in_dim3A_146 {strides = array<i32>} : memref<632xf32, #tpu.memory_space<vmem>>, vector<16xf32>,
    %broadcast_in_dim3A_149 = arith.constant 0.000000e+00 : f32
    %broadcast_in_dim3A_150 = vector.broadcast %broadcast_in_dim3A_149 : f32 to vector<16xf32>
    %swap3A_151 = arith.constant 528 : index
    %swap3A_152 = tpu.vector_load %arg13[%swap3A_151] {strides = array<i32>} : memref<632xf32, #tpu.memory_space<vmem>>, vector<16xf32>,
    tpu.vector_store %arg13[%swap3A_151], %broadcast_in_dim3A_150 {strides = array<i32>} : memref<632xf32, #tpu.memory_space<vmem>>, vector<16xf32>,
    %broadcast_in_dim3A_153 = arith.constant 0.000000e+00 : f32
    %broadcast_in_dim3A_154 = vector.broadcast %broadcast_in_dim3A_153 : f32 to vector<16xf32>
    %swap3A_155 = arith.constant 544 : index
    %swap3A_156 = tpu.vector_load %arg13[%swap3A_155] {strides = array<i32>} : memref<632xf32, #tpu.memory_space<vmem>>, vector<16xf32>,
    tpu.vector_store %arg13[%swap3A_155], %broadcast_in_dim3A_154 {strides = array<i32>} : memref<632xf32, #tpu.memory_space<vmem>>, vector<16xf32>,
    %broadcast_in_dim3A_157 = arith.constant 0.000000e+00 : f32
    %broadcast_in_dim3A_158 = vector.broadcast %broadcast_in_dim3A_157 : f32 to vector<16xf32>
    %swap3A_159 = arith.constant 560 : index
    %swap3A_160 = tpu.vector_load %arg13[%swap3A_159] {strides = array<i32>} : memref<632xf32, #tpu.memory_space<vmem>>, vector<16xf32>,
    tpu.vector_store %arg13[%swap3A_159], %broadcast_in_dim3A_158 {strides = array<i32>} : memref<632xf32, #tpu.memory_space<vmem>>, vector<16xf32>,
    %broadcast_in_dim3A_161 = arith.constant 0.000000e+00 : f32
    %broadcast_in_dim3A_162 = vector.broadcast %broadcast_in_dim3A_161 : f32 to vector<16xf32>
    %swap3A_163 = arith.constant 576 : index
    %swap3A_164 = tpu.vector_load %arg13[%swap3A_163] {strides = array<i32>} : memref<632xf32, #tpu.memory_space<vmem>>, vector<16xf32>,
    tpu.vector_store %arg13[%swap3A_163], %broadcast_in_dim3A_162 {strides = array<i32>} : memref<632xf32, #tpu.memory_space<vmem>>, vector<16xf32>,
    %broadcast_in_dim3A_165 = arith.constant 0.000000e+00 : f32
    %broadcast_in_dim3A_166 = vector.broadcast %broadcast_in_dim3A_165 : f32 to vector<16xf32>
    %swap3A_167 = arith.constant 592 : index
    %swap3A_168 = tpu.vector_load %arg13[%swap3A_167] {strides = array<i32>} : memref<632xf32, #tpu.memory_space<vmem>>, vector<16xf32>,
    tpu.vector_store %arg13[%swap3A_167], %broadcast_in_dim3A_166 {strides = array<i32>} : memref<632xf32, #tpu.memory_space<vmem>>, vector<16xf32>,
    %broadcast_in_dim3A_169 = arith.constant 0.000000e+00 : f32
    %broadcast_in_dim3A_170 = vector.broadcast %broadcast_in_dim3A_169 : f32 to vector<16xf32>
    %swap3A_171 = arith.constant 608 : index
    %swap3A_172 = tpu.vector_load %arg13[%swap3A_171] {strides = array<i32>} : memref<632xf32, #tpu.memory_space<vmem>>, vector<16xf32>,
    tpu.vector_store %arg13[%swap3A_171], %broadcast_in_dim3A_170 {strides = array<i32>} : memref<632xf32, #tpu.memory_space<vmem>>, vector<16xf32>,
    "tpu.region"() ({
      %run_scoped3A = tpu.sem_alloc : memref<!tpu.dma_semaphore, #tpu.memory_space<semaphore_mem>>
      %dma_start3A_203 = tpu.memref_slice %arg14[%min3A_3] : memref<10008xf32, #tpu.memory_space<vmem_shared>> -> memref<632xf32, #tpu.memory_space<vmem_shared>>
      %dma_start3A_204 = tpu.memref_slice %arg14[%min3A_3] : memref<10008xf32, #tpu.memory_space<vmem_shared>> -> memref<632xf32, #tpu.memory_space<vmem_shared>>
      tpu.enqueue_dma source(%arg13 : memref<632xf32, #tpu.memory_space<vmem>>) target(%dma_start3A_204 : memref<632xf32, #tpu.memory_space<vmem_shared>>) target_semaphore(%run_scoped3A : memref<!tpu.dma_semaphore, #tpu.memory_space<semaphore_mem>>)
      %dma_wait3A_205 = tpu.memref_slice %arg14[%min3A_3] : memref<10008xf32, #tpu.memory_space<vmem_shared>> -> memref<632xf32, #tpu.memory_space<vmem_shared>>
      %dma_wait3A_206 = tpu.memref_slice %arg14[%min3A_3] : memref<10008xf32, #tpu.memory_space<vmem_shared>> -> memref<632xf32, #tpu.memory_space<vmem_shared>>
      tpu.wait_dma2 semaphore(%run_scoped3A : memref<!tpu.dma_semaphore, #tpu.memory_space<semaphore_mem>>) src(%arg13 : memref<632xf32, #tpu.memory_space<vmem>>) dst(%dma_wait3A_206 : memref<632xf32, #tpu.memory_space<vmem_shared>>)
      tpu.yield
    }) : () -> ()
    tpu.wait_dma2 semaphore(%arg15 : memref<!tpu.dma_semaphore, #tpu.memory_space<semaphore_mem>>) src(%arg2 : memref<79x128xf32, #tpu.memory_space<hbm>>) dst(%arg8 : memref<79x128xf32, #tpu.memory_space<vmem>>)
    tpu.wait_dma2 semaphore(%arg15 : memref<!tpu.dma_semaphore, #tpu.memory_space<semaphore_mem>>) src(%arg3 : memref<79x128xf32, #tpu.memory_space<hbm>>) dst(%arg9 : memref<79x128xf32, #tpu.memory_space<vmem>>)
    %dma_wait3A = arith.constant 0 : i32
    %dma_wait3A_173 = arith.constant 0 : i32
    %dma_wait3A_174 = tpu.memref_slice %arg4[%add3A, %dma_wait3A, %dma_wait3A_173] : memref<32x81x128xi32, #tpu.memory_space<hbm>> -> memref<1x81x128xi32, #tpu.memory_space<hbm>>
    %dma_wait3A_175 = tpu.memref_squeeze %dma_wait3A_174 : memref<1x81x128xi32, #tpu.memory_space<hbm>> -> memref<81x128xi32, #tpu.memory_space<hbm>>
    %dma_wait3A_176 = arith.constant 0 : i32
    %dma_wait3A_177 = arith.constant 0 : i32
    %dma_wait3A_178 = tpu.memref_slice %arg4[%add3A, %dma_wait3A_176, %dma_wait3A_177] : memref<32x81x128xi32, #tpu.memory_space<hbm>> -> memref<1x81x128xi32, #tpu.memory_space<hbm>>
    %dma_wait3A_179 = tpu.memref_squeeze %dma_wait3A_178 : memref<1x81x128xi32, #tpu.memory_space<hbm>> -> memref<81x128xi32, #tpu.memory_space<hbm>>
    tpu.wait_dma2 semaphore(%arg15 : memref<!tpu.dma_semaphore, #tpu.memory_space<semaphore_mem>>) src(%dma_wait3A_179 : memref<81x128xi32, #tpu.memory_space<hbm>>) dst(%arg10 : memref<81x128xi32, #tpu.memory_space<vmem>>)
    %dma_wait3A_180 = arith.constant 0 : i32
    %dma_wait3A_181 = arith.constant 0 : i32
    %dma_wait3A_182 = tpu.memref_slice %arg5[%add3A, %dma_wait3A_180, %dma_wait3A_181] : memref<32x81x128xi32, #tpu.memory_space<hbm>> -> memref<1x81x128xi32, #tpu.memory_space<hbm>>
    %dma_wait3A_183 = tpu.memref_squeeze %dma_wait3A_182 : memref<1x81x128xi32, #tpu.memory_space<hbm>> -> memref<81x128xi32, #tpu.memory_space<hbm>>
    %dma_wait3A_184 = arith.constant 0 : i32
    %dma_wait3A_185 = arith.constant 0 : i32
    %dma_wait3A_186 = tpu.memref_slice %arg5[%add3A, %dma_wait3A_184, %dma_wait3A_185] : memref<32x81x128xi32, #tpu.memory_space<hbm>> -> memref<1x81x128xi32, #tpu.memory_space<hbm>>
    %dma_wait3A_187 = tpu.memref_squeeze %dma_wait3A_186 : memref<1x81x128xi32, #tpu.memory_space<hbm>> -> memref<81x128xi32, #tpu.memory_space<hbm>>
    tpu.wait_dma2 semaphore(%arg15 : memref<!tpu.dma_semaphore, #tpu.memory_space<semaphore_mem>>) src(%dma_wait3A_187 : memref<81x128xi32, #tpu.memory_space<hbm>>) dst(%arg11 : memref<81x128xi32, #tpu.memory_space<vmem>>)
    %barrier3A = arith.constant 0 : index
    tpu.barrier barrier_id(%barrier3A)
    %scan3A = arith.constant 0 : i32
    %scan3A_188 = arith.constant 0 : i32
    %scan3A_189 = arith.constant 81 : i32
    %scan3A_190 = arith.addi %scan3A_188, %scan3A_189 : i32
    %scan3A_191 = arith.constant 1 : i32
    scf.for %scan3A_203 = %scan3A_188 to %scan3A_190 step %scan3A_191  : i32 {
      %get3A = arith.index_cast %scan3A_203 : i32 to index
      %get3A_204 = arith.constant 0 : index
      %get3A_205 = tpu.vector_load %arg10[%get3A, %get3A_204] {strides = array<i32>} : memref<81x128xi32, #tpu.memory_space<vmem>>, vector<16xi32>,
      %get3A_206 = arith.index_cast %scan3A_203 : i32 to index
      %get3A_207 = arith.constant 0 : index
      %get3A_208 = tpu.vector_load %arg11[%get3A_206, %get3A_207] {strides = array<i32>} : memref<81x128xi32, #tpu.memory_space<vmem>>, vector<16xi32>,
      %shift_right_arithmetic3A = arith.constant 7 : i32
      %shift_right_arithmetic3A_209 = vector.broadcast %shift_right_arithmetic3A : i32 to vector<16xi32>
      %shift_right_arithmetic3A_210 = arith.shrsi %get3A_205, %shift_right_arithmetic3A_209 : vector<16xi32>
      %and3A = arith.constant 127 : i32
      %and3A_211 = vector.broadcast %and3A : i32 to vector<16xi32>
      %and3A_212 = arith.andi %get3A_205, %and3A_211 : vector<16xi32>
      %gather3A = tpu.vector_load_idx %arg8[%shift_right_arithmetic3A_210, %and3A_212] : memref<79x128xf32, #tpu.memory_space<vmem>>[vector<16xi32>, vector<16xi32>], vector<16xf32>,
      %shift_right_arithmetic3A_213 = arith.constant 7 : i32
      %shift_right_arithmetic3A_214 = vector.broadcast %shift_right_arithmetic3A_213 : i32 to vector<16xi32>
      %shift_right_arithmetic3A_215 = arith.shrsi %get3A_208, %shift_right_arithmetic3A_214 : vector<16xi32>
      %and3A_216 = arith.constant 127 : i32
      %and3A_217 = vector.broadcast %and3A_216 : i32 to vector<16xi32>
      %and3A_218 = arith.andi %get3A_208, %and3A_217 : vector<16xi32>
      %gather3A_219 = tpu.vector_load_idx %arg9[%shift_right_arithmetic3A_215, %and3A_218] : memref<79x128xf32, #tpu.memory_space<vmem>>[vector<16xi32>, vector<16xi32>], vector<16xf32>,
      %add3A_220 = arith.addf %gather3A, %gather3A_219 : vector<16xf32>
      %ge3A = arith.constant 0.000000e+00 : f32
      %ge3A_221 = vector.broadcast %ge3A : f32 to vector<16xf32>
      %ge3A_222 = arith.cmpf oge, %add3A_220, %ge3A_221 : vector<16xf32>
      %mul3A_223 = arith.constant 2.000000e-01 : f32
      %mul3A_224 = vector.broadcast %mul3A_223 : f32 to vector<16xf32>
      %mul3A_225 = arith.mulf %mul3A_224, %add3A_220 : vector<16xf32>
      %select_n3A = arith.select %ge3A_222, %add3A_220, %mul3A_225 : vector<16xi1>, vector<16xf32>
      %exp3A = math.exp %select_n3A : vector<16xf32>
      %swap3A_226 = arith.index_cast %scan3A_203 : i32 to index
      %swap3A_227 = arith.constant 0 : index
      %swap3A_228 = tpu.vector_load %arg12[%swap3A_226, %swap3A_227] {strides = array<i32>} : memref<81x128xf32, #tpu.memory_space<vmem>>, vector<16xf32>,
      tpu.vector_store %arg12[%swap3A_226, %swap3A_227], %exp3A {strides = array<i32>} : memref<81x128xf32, #tpu.memory_space<vmem>>, vector<16xf32>,
      %get3A_229 = arith.index_cast %scan3A_203 : i32 to index
      %get3A_230 = arith.constant 16 : index
      %get3A_231 = tpu.vector_load %arg10[%get3A_229, %get3A_230] {strides = array<i32>} : memref<81x128xi32, #tpu.memory_space<vmem>>, vector<16xi32>,
      %get3A_232 = arith.index_cast %scan3A_203 : i32 to index
      %get3A_233 = arith.constant 16 : index
      %get3A_234 = tpu.vector_load %arg11[%get3A_232, %get3A_233] {strides = array<i32>} : memref<81x128xi32, #tpu.memory_space<vmem>>, vector<16xi32>,
      %shift_right_arithmetic3A_235 = arith.constant 7 : i32
      %shift_right_arithmetic3A_236 = vector.broadcast %shift_right_arithmetic3A_235 : i32 to vector<16xi32>
      %shift_right_arithmetic3A_237 = arith.shrsi %get3A_231, %shift_right_arithmetic3A_236 : vector<16xi32>
      %and3A_238 = arith.constant 127 : i32
      %and3A_239 = vector.broadcast %and3A_238 : i32 to vector<16xi32>
      %and3A_240 = arith.andi %get3A_231, %and3A_239 : vector<16xi32>
      %gather3A_241 = tpu.vector_load_idx %arg8[%shift_right_arithmetic3A_237, %and3A_240] : memref<79x128xf32, #tpu.memory_space<vmem>>[vector<16xi32>, vector<16xi32>], vector<16xf32>,
      %shift_right_arithmetic3A_242 = arith.constant 7 : i32
      %shift_right_arithmetic3A_243 = vector.broadcast %shift_right_arithmetic3A_242 : i32 to vector<16xi32>
      %shift_right_arithmetic3A_244 = arith.shrsi %get3A_234, %shift_right_arithmetic3A_243 : vector<16xi32>
      %and3A_245 = arith.constant 127 : i32
      %and3A_246 = vector.broadcast %and3A_245 : i32 to vector<16xi32>
      %and3A_247 = arith.andi %get3A_234, %and3A_246 : vector<16xi32>
      %gather3A_248 = tpu.vector_load_idx %arg9[%shift_right_arithmetic3A_244, %and3A_247] : memref<79x128xf32, #tpu.memory_space<vmem>>[vector<16xi32>, vector<16xi32>], vector<16xf32>,
      %add3A_249 = arith.addf %gather3A_241, %gather3A_248 : vector<16xf32>
      %ge3A_250 = arith.constant 0.000000e+00 : f32
      %ge3A_251 = vector.broadcast %ge3A_250 : f32 to vector<16xf32>
      %ge3A_252 = arith.cmpf oge, %add3A_249, %ge3A_251 : vector<16xf32>
      %mul3A_253 = arith.constant 2.000000e-01 : f32
      %mul3A_254 = vector.broadcast %mul3A_253 : f32 to vector<16xf32>
      %mul3A_255 = arith.mulf %mul3A_254, %add3A_249 : vector<16xf32>
      %select_n3A_256 = arith.select %ge3A_252, %add3A_249, %mul3A_255 : vector<16xi1>, vector<16xf32>
      %exp3A_257 = math.exp %select_n3A_256 : vector<16xf32>
      %swap3A_258 = arith.index_cast %scan3A_203 : i32 to index
      %swap3A_259 = arith.constant 16 : index
      %swap3A_260 = tpu.vector_load %arg12[%swap3A_258, %swap3A_259] {strides = array<i32>} : memref<81x128xf32, #tpu.memory_space<vmem>>, vector<16xf32>,
      tpu.vector_store %arg12[%swap3A_258, %swap3A_259], %exp3A_257 {strides = array<i32>} : memref<81x128xf32, #tpu.memory_space<vmem>>, vector<16xf32>,
      %get3A_261 = arith.index_cast %scan3A_203 : i32 to index
      %get3A_262 = arith.constant 32 : index
      %get3A_263 = tpu.vector_load %arg10[%get3A_261, %get3A_262] {strides = array<i32>} : memref<81x128xi32, #tpu.memory_space<vmem>>, vector<16xi32>,
      %get3A_264 = arith.index_cast %scan3A_203 : i32 to index
      %get3A_265 = arith.constant 32 : index
      %get3A_266 = tpu.vector_load %arg11[%get3A_264, %get3A_265] {strides = array<i32>} : memref<81x128xi32, #tpu.memory_space<vmem>>, vector<16xi32>,
      %shift_right_arithmetic3A_267 = arith.constant 7 : i32
      %shift_right_arithmetic3A_268 = vector.broadcast %shift_right_arithmetic3A_267 : i32 to vector<16xi32>
      %shift_right_arithmetic3A_269 = arith.shrsi %get3A_263, %shift_right_arithmetic3A_268 : vector<16xi32>
      %and3A_270 = arith.constant 127 : i32
      %and3A_271 = vector.broadcast %and3A_270 : i32 to vector<16xi32>
      %and3A_272 = arith.andi %get3A_263, %and3A_271 : vector<16xi32>
      %gather3A_273 = tpu.vector_load_idx %arg8[%shift_right_arithmetic3A_269, %and3A_272] : memref<79x128xf32, #tpu.memory_space<vmem>>[vector<16xi32>, vector<16xi32>], vector<16xf32>,
      %shift_right_arithmetic3A_274 = arith.constant 7 : i32
      %shift_right_arithmetic3A_275 = vector.broadcast %shift_right_arithmetic3A_274 : i32 to vector<16xi32>
      %shift_right_arithmetic3A_276 = arith.shrsi %get3A_266, %shift_right_arithmetic3A_275 : vector<16xi32>
      %and3A_277 = arith.constant 127 : i32
      %and3A_278 = vector.broadcast %and3A_277 : i32 to vector<16xi32>
      %and3A_279 = arith.andi %get3A_266, %and3A_278 : vector<16xi32>
      %gather3A_280 = tpu.vector_load_idx %arg9[%shift_right_arithmetic3A_276, %and3A_279] : memref<79x128xf32, #tpu.memory_space<vmem>>[vector<16xi32>, vector<16xi32>], vector<16xf32>,
      %add3A_281 = arith.addf %gather3A_273, %gather3A_280 : vector<16xf32>
      %ge3A_282 = arith.constant 0.000000e+00 : f32
      %ge3A_283 = vector.broadcast %ge3A_282 : f32 to vector<16xf32>
      %ge3A_284 = arith.cmpf oge, %add3A_281, %ge3A_283 : vector<16xf32>
      %mul3A_285 = arith.constant 2.000000e-01 : f32
      %mul3A_286 = vector.broadcast %mul3A_285 : f32 to vector<16xf32>
      %mul3A_287 = arith.mulf %mul3A_286, %add3A_281 : vector<16xf32>
      %select_n3A_288 = arith.select %ge3A_284, %add3A_281, %mul3A_287 : vector<16xi1>, vector<16xf32>
      %exp3A_289 = math.exp %select_n3A_288 : vector<16xf32>
      %swap3A_290 = arith.index_cast %scan3A_203 : i32 to index
      %swap3A_291 = arith.constant 32 : index
      %swap3A_292 = tpu.vector_load %arg12[%swap3A_290, %swap3A_291] {strides = array<i32>} : memref<81x128xf32, #tpu.memory_space<vmem>>, vector<16xf32>,
      tpu.vector_store %arg12[%swap3A_290, %swap3A_291], %exp3A_289 {strides = array<i32>} : memref<81x128xf32, #tpu.memory_space<vmem>>, vector<16xf32>,
      %get3A_293 = arith.index_cast %scan3A_203 : i32 to index
      %get3A_294 = arith.constant 48 : index
      %get3A_295 = tpu.vector_load %arg10[%get3A_293, %get3A_294] {strides = array<i32>} : memref<81x128xi32, #tpu.memory_space<vmem>>, vector<16xi32>,
      %get3A_296 = arith.index_cast %scan3A_203 : i32 to index
      %get3A_297 = arith.constant 48 : index
      %get3A_298 = tpu.vector_load %arg11[%get3A_296, %get3A_297] {strides = array<i32>} : memref<81x128xi32, #tpu.memory_space<vmem>>, vector<16xi32>,
      %shift_right_arithmetic3A_299 = arith.constant 7 : i32
      %shift_right_arithmetic3A_300 = vector.broadcast %shift_right_arithmetic3A_299 : i32 to vector<16xi32>
      %shift_right_arithmetic3A_301 = arith.shrsi %get3A_295, %shift_right_arithmetic3A_300 : vector<16xi32>
      %and3A_302 = arith.constant 127 : i32
      %and3A_303 = vector.broadcast %and3A_302 : i32 to vector<16xi32>
      %and3A_304 = arith.andi %get3A_295, %and3A_303 : vector<16xi32>
      %gather3A_305 = tpu.vector_load_idx %arg8[%shift_right_arithmetic3A_301, %and3A_304] : memref<79x128xf32, #tpu.memory_space<vmem>>[vector<16xi32>, vector<16xi32>], vector<16xf32>,
      %shift_right_arithmetic3A_306 = arith.constant 7 : i32
      %shift_right_arithmetic3A_307 = vector.broadcast %shift_right_arithmetic3A_306 : i32 to vector<16xi32>
      %shift_right_arithmetic3A_308 = arith.shrsi %get3A_298, %shift_right_arithmetic3A_307 : vector<16xi32>
      %and3A_309 = arith.constant 127 : i32
      %and3A_310 = vector.broadcast %and3A_309 : i32 to vector<16xi32>
      %and3A_311 = arith.andi %get3A_298, %and3A_310 : vector<16xi32>
      %gather3A_312 = tpu.vector_load_idx %arg9[%shift_right_arithmetic3A_308, %and3A_311] : memref<79x128xf32, #tpu.memory_space<vmem>>[vector<16xi32>, vector<16xi32>], vector<16xf32>,
      %add3A_313 = arith.addf %gather3A_305, %gather3A_312 : vector<16xf32>
      %ge3A_314 = arith.constant 0.000000e+00 : f32
      %ge3A_315 = vector.broadcast %ge3A_314 : f32 to vector<16xf32>
      %ge3A_316 = arith.cmpf oge, %add3A_313, %ge3A_315 : vector<16xf32>
      %mul3A_317 = arith.constant 2.000000e-01 : f32
      %mul3A_318 = vector.broadcast %mul3A_317 : f32 to vector<16xf32>
      %mul3A_319 = arith.mulf %mul3A_318, %add3A_313 : vector<16xf32>
      %select_n3A_320 = arith.select %ge3A_316, %add3A_313, %mul3A_319 : vector<16xi1>, vector<16xf32>
      %exp3A_321 = math.exp %select_n3A_320 : vector<16xf32>
      %swap3A_322 = arith.index_cast %scan3A_203 : i32 to index
      %swap3A_323 = arith.constant 48 : index
      %swap3A_324 = tpu.vector_load %arg12[%swap3A_322, %swap3A_323] {strides = array<i32>} : memref<81x128xf32, #tpu.memory_space<vmem>>, vector<16xf32>,
      tpu.vector_store %arg12[%swap3A_322, %swap3A_323], %exp3A_321 {strides = array<i32>} : memref<81x128xf32, #tpu.memory_space<vmem>>, vector<16xf32>,
      %get3A_325 = arith.index_cast %scan3A_203 : i32 to index
      %get3A_326 = arith.constant 64 : index
      %get3A_327 = tpu.vector_load %arg10[%get3A_325, %get3A_326] {strides = array<i32>} : memref<81x128xi32, #tpu.memory_space<vmem>>, vector<16xi32>,
      %get3A_328 = arith.index_cast %scan3A_203 : i32 to index
      %get3A_329 = arith.constant 64 : index
      %get3A_330 = tpu.vector_load %arg11[%get3A_328, %get3A_329] {strides = array<i32>} : memref<81x128xi32, #tpu.memory_space<vmem>>, vector<16xi32>,
      %shift_right_arithmetic3A_331 = arith.constant 7 : i32
      %shift_right_arithmetic3A_332 = vector.broadcast %shift_right_arithmetic3A_331 : i32 to vector<16xi32>
      %shift_right_arithmetic3A_333 = arith.shrsi %get3A_327, %shift_right_arithmetic3A_332 : vector<16xi32>
      %and3A_334 = arith.constant 127 : i32
      %and3A_335 = vector.broadcast %and3A_334 : i32 to vector<16xi32>
      %and3A_336 = arith.andi %get3A_327, %and3A_335 : vector<16xi32>
      %gather3A_337 = tpu.vector_load_idx %arg8[%shift_right_arithmetic3A_333, %and3A_336] : memref<79x128xf32, #tpu.memory_space<vmem>>[vector<16xi32>, vector<16xi32>], vector<16xf32>,
      %shift_right_arithmetic3A_338 = arith.constant 7 : i32
      %shift_right_arithmetic3A_339 = vector.broadcast %shift_right_arithmetic3A_338 : i32 to vector<16xi32>
      %shift_right_arithmetic3A_340 = arith.shrsi %get3A_330, %shift_right_arithmetic3A_339 : vector<16xi32>
      %and3A_341 = arith.constant 127 : i32
      %and3A_342 = vector.broadcast %and3A_341 : i32 to vector<16xi32>
      %and3A_343 = arith.andi %get3A_330, %and3A_342 : vector<16xi32>
      %gather3A_344 = tpu.vector_load_idx %arg9[%shift_right_arithmetic3A_340, %and3A_343] : memref<79x128xf32, #tpu.memory_space<vmem>>[vector<16xi32>, vector<16xi32>], vector<16xf32>,
      %add3A_345 = arith.addf %gather3A_337, %gather3A_344 : vector<16xf32>
      %ge3A_346 = arith.constant 0.000000e+00 : f32
      %ge3A_347 = vector.broadcast %ge3A_346 : f32 to vector<16xf32>
      %ge3A_348 = arith.cmpf oge, %add3A_345, %ge3A_347 : vector<16xf32>
      %mul3A_349 = arith.constant 2.000000e-01 : f32
      %mul3A_350 = vector.broadcast %mul3A_349 : f32 to vector<16xf32>
      %mul3A_351 = arith.mulf %mul3A_350, %add3A_345 : vector<16xf32>
      %select_n3A_352 = arith.select %ge3A_348, %add3A_345, %mul3A_351 : vector<16xi1>, vector<16xf32>
      %exp3A_353 = math.exp %select_n3A_352 : vector<16xf32>
      %swap3A_354 = arith.index_cast %scan3A_203 : i32 to index
      %swap3A_355 = arith.constant 64 : index
      %swap3A_356 = tpu.vector_load %arg12[%swap3A_354, %swap3A_355] {strides = array<i32>} : memref<81x128xf32, #tpu.memory_space<vmem>>, vector<16xf32>,
      tpu.vector_store %arg12[%swap3A_354, %swap3A_355], %exp3A_353 {strides = array<i32>} : memref<81x128xf32, #tpu.memory_space<vmem>>, vector<16xf32>,
      %get3A_357 = arith.index_cast %scan3A_203 : i32 to index
      %get3A_358 = arith.constant 80 : index
      %get3A_359 = tpu.vector_load %arg10[%get3A_357, %get3A_358] {strides = array<i32>} : memref<81x128xi32, #tpu.memory_space<vmem>>, vector<16xi32>,
      %get3A_360 = arith.index_cast %scan3A_203 : i32 to index
      %get3A_361 = arith.constant 80 : index
      %get3A_362 = tpu.vector_load %arg11[%get3A_360, %get3A_361] {strides = array<i32>} : memref<81x128xi32, #tpu.memory_space<vmem>>, vector<16xi32>,
      %shift_right_arithmetic3A_363 = arith.constant 7 : i32
      %shift_right_arithmetic3A_364 = vector.broadcast %shift_right_arithmetic3A_363 : i32 to vector<16xi32>
      %shift_right_arithmetic3A_365 = arith.shrsi %get3A_359, %shift_right_arithmetic3A_364 : vector<16xi32>
      %and3A_366 = arith.constant 127 : i32
      %and3A_367 = vector.broadcast %and3A_366 : i32 to vector<16xi32>
      %and3A_368 = arith.andi %get3A_359, %and3A_367 : vector<16xi32>
      %gather3A_369 = tpu.vector_load_idx %arg8[%shift_right_arithmetic3A_365, %and3A_368] : memref<79x128xf32, #tpu.memory_space<vmem>>[vector<16xi32>, vector<16xi32>], vector<16xf32>,
      %shift_right_arithmetic3A_370 = arith.constant 7 : i32
      %shift_right_arithmetic3A_371 = vector.broadcast %shift_right_arithmetic3A_370 : i32 to vector<16xi32>
      %shift_right_arithmetic3A_372 = arith.shrsi %get3A_362, %shift_right_arithmetic3A_371 : vector<16xi32>
      %and3A_373 = arith.constant 127 : i32
      %and3A_374 = vector.broadcast %and3A_373 : i32 to vector<16xi32>
      %and3A_375 = arith.andi %get3A_362, %and3A_374 : vector<16xi32>
      %gather3A_376 = tpu.vector_load_idx %arg9[%shift_right_arithmetic3A_372, %and3A_375] : memref<79x128xf32, #tpu.memory_space<vmem>>[vector<16xi32>, vector<16xi32>], vector<16xf32>,
      %add3A_377 = arith.addf %gather3A_369, %gather3A_376 : vector<16xf32>
      %ge3A_378 = arith.constant 0.000000e+00 : f32
      %ge3A_379 = vector.broadcast %ge3A_378 : f32 to vector<16xf32>
      %ge3A_380 = arith.cmpf oge, %add3A_377, %ge3A_379 : vector<16xf32>
      %mul3A_381 = arith.constant 2.000000e-01 : f32
      %mul3A_382 = vector.broadcast %mul3A_381 : f32 to vector<16xf32>
      %mul3A_383 = arith.mulf %mul3A_382, %add3A_377 : vector<16xf32>
      %select_n3A_384 = arith.select %ge3A_380, %add3A_377, %mul3A_383 : vector<16xi1>, vector<16xf32>
      %exp3A_385 = math.exp %select_n3A_384 : vector<16xf32>
      %swap3A_386 = arith.index_cast %scan3A_203 : i32 to index
      %swap3A_387 = arith.constant 80 : index
      %swap3A_388 = tpu.vector_load %arg12[%swap3A_386, %swap3A_387] {strides = array<i32>} : memref<81x128xf32, #tpu.memory_space<vmem>>, vector<16xf32>,
      tpu.vector_store %arg12[%swap3A_386, %swap3A_387], %exp3A_385 {strides = array<i32>} : memref<81x128xf32, #tpu.memory_space<vmem>>, vector<16xf32>,
      %get3A_389 = arith.index_cast %scan3A_203 : i32 to index
      %get3A_390 = arith.constant 96 : index
      %get3A_391 = tpu.vector_load %arg10[%get3A_389, %get3A_390] {strides = array<i32>} : memref<81x128xi32, #tpu.memory_space<vmem>>, vector<16xi32>,
      %get3A_392 = arith.index_cast %scan3A_203 : i32 to index
      %get3A_393 = arith.constant 96 : index
      %get3A_394 = tpu.vector_load %arg11[%get3A_392, %get3A_393] {strides = array<i32>} : memref<81x128xi32, #tpu.memory_space<vmem>>, vector<16xi32>,
      %shift_right_arithmetic3A_395 = arith.constant 7 : i32
      %shift_right_arithmetic3A_396 = vector.broadcast %shift_right_arithmetic3A_395 : i32 to vector<16xi32>
      %shift_right_arithmetic3A_397 = arith.shrsi %get3A_391, %shift_right_arithmetic3A_396 : vector<16xi32>
      %and3A_398 = arith.constant 127 : i32
      %and3A_399 = vector.broadcast %and3A_398 : i32 to vector<16xi32>
      %and3A_400 = arith.andi %get3A_391, %and3A_399 : vector<16xi32>
      %gather3A_401 = tpu.vector_load_idx %arg8[%shift_right_arithmetic3A_397, %and3A_400] : memref<79x128xf32, #tpu.memory_space<vmem>>[vector<16xi32>, vector<16xi32>], vector<16xf32>,
      %shift_right_arithmetic3A_402 = arith.constant 7 : i32
      %shift_right_arithmetic3A_403 = vector.broadcast %shift_right_arithmetic3A_402 : i32 to vector<16xi32>
      %shift_right_arithmetic3A_404 = arith.shrsi %get3A_394, %shift_right_arithmetic3A_403 : vector<16xi32>
      %and3A_405 = arith.constant 127 : i32
      %and3A_406 = vector.broadcast %and3A_405 : i32 to vector<16xi32>
      %and3A_407 = arith.andi %get3A_394, %and3A_406 : vector<16xi32>
      %gather3A_408 = tpu.vector_load_idx %arg9[%shift_right_arithmetic3A_404, %and3A_407] : memref<79x128xf32, #tpu.memory_space<vmem>>[vector<16xi32>, vector<16xi32>], vector<16xf32>,
      %add3A_409 = arith.addf %gather3A_401, %gather3A_408 : vector<16xf32>
      %ge3A_410 = arith.constant 0.000000e+00 : f32
      %ge3A_411 = vector.broadcast %ge3A_410 : f32 to vector<16xf32>
      %ge3A_412 = arith.cmpf oge, %add3A_409, %ge3A_411 : vector<16xf32>
      %mul3A_413 = arith.constant 2.000000e-01 : f32
      %mul3A_414 = vector.broadcast %mul3A_413 : f32 to vector<16xf32>
      %mul3A_415 = arith.mulf %mul3A_414, %add3A_409 : vector<16xf32>
      %select_n3A_416 = arith.select %ge3A_412, %add3A_409, %mul3A_415 : vector<16xi1>, vector<16xf32>
      %exp3A_417 = math.exp %select_n3A_416 : vector<16xf32>
      %swap3A_418 = arith.index_cast %scan3A_203 : i32 to index
      %swap3A_419 = arith.constant 96 : index
      %swap3A_420 = tpu.vector_load %arg12[%swap3A_418, %swap3A_419] {strides = array<i32>} : memref<81x128xf32, #tpu.memory_space<vmem>>, vector<16xf32>,
      tpu.vector_store %arg12[%swap3A_418, %swap3A_419], %exp3A_417 {strides = array<i32>} : memref<81x128xf32, #tpu.memory_space<vmem>>, vector<16xf32>,
      %get3A_421 = arith.index_cast %scan3A_203 : i32 to index
      %get3A_422 = arith.constant 112 : index
      %get3A_423 = tpu.vector_load %arg10[%get3A_421, %get3A_422] {strides = array<i32>} : memref<81x128xi32, #tpu.memory_space<vmem>>, vector<16xi32>,
      %get3A_424 = arith.index_cast %scan3A_203 : i32 to index
      %get3A_425 = arith.constant 112 : index
      %get3A_426 = tpu.vector_load %arg11[%get3A_424, %get3A_425] {strides = array<i32>} : memref<81x128xi32, #tpu.memory_space<vmem>>, vector<16xi32>,
      %shift_right_arithmetic3A_427 = arith.constant 7 : i32
      %shift_right_arithmetic3A_428 = vector.broadcast %shift_right_arithmetic3A_427 : i32 to vector<16xi32>
      %shift_right_arithmetic3A_429 = arith.shrsi %get3A_423, %shift_right_arithmetic3A_428 : vector<16xi32>
      %and3A_430 = arith.constant 127 : i32
      %and3A_431 = vector.broadcast %and3A_430 : i32 to vector<16xi32>
      %and3A_432 = arith.andi %get3A_423, %and3A_431 : vector<16xi32>
      %gather3A_433 = tpu.vector_load_idx %arg8[%shift_right_arithmetic3A_429, %and3A_432] : memref<79x128xf32, #tpu.memory_space<vmem>>[vector<16xi32>, vector<16xi32>], vector<16xf32>,
      %shift_right_arithmetic3A_434 = arith.constant 7 : i32
      %shift_right_arithmetic3A_435 = vector.broadcast %shift_right_arithmetic3A_434 : i32 to vector<16xi32>
      %shift_right_arithmetic3A_436 = arith.shrsi %get3A_426, %shift_right_arithmetic3A_435 : vector<16xi32>
      %and3A_437 = arith.constant 127 : i32
      %and3A_438 = vector.broadcast %and3A_437 : i32 to vector<16xi32>
      %and3A_439 = arith.andi %get3A_426, %and3A_438 : vector<16xi32>
      %gather3A_440 = tpu.vector_load_idx %arg9[%shift_right_arithmetic3A_436, %and3A_439] : memref<79x128xf32, #tpu.memory_space<vmem>>[vector<16xi32>, vector<16xi32>], vector<16xf32>,
      %add3A_441 = arith.addf %gather3A_433, %gather3A_440 : vector<16xf32>
      %ge3A_442 = arith.constant 0.000000e+00 : f32
      %ge3A_443 = vector.broadcast %ge3A_442 : f32 to vector<16xf32>
      %ge3A_444 = arith.cmpf oge, %add3A_441, %ge3A_443 : vector<16xf32>
      %mul3A_445 = arith.constant 2.000000e-01 : f32
      %mul3A_446 = vector.broadcast %mul3A_445 : f32 to vector<16xf32>
      %mul3A_447 = arith.mulf %mul3A_446, %add3A_441 : vector<16xf32>
      %select_n3A_448 = arith.select %ge3A_444, %add3A_441, %mul3A_447 : vector<16xi1>, vector<16xf32>
      %exp3A_449 = math.exp %select_n3A_448 : vector<16xf32>
      %swap3A_450 = arith.index_cast %scan3A_203 : i32 to index
      %swap3A_451 = arith.constant 112 : index
      %swap3A_452 = tpu.vector_load %arg12[%swap3A_450, %swap3A_451] {strides = array<i32>} : memref<81x128xf32, #tpu.memory_space<vmem>>, vector<16xf32>,
      tpu.vector_store %arg12[%swap3A_450, %swap3A_451], %exp3A_449 {strides = array<i32>} : memref<81x128xf32, #tpu.memory_space<vmem>>, vector<16xf32>,
      %dma_start3A_453 = arith.constant 0 : i32
      %dma_start3A_454 = tpu.memref_slice %arg12[%scan3A_203, %dma_start3A_453] : memref<81x128xf32, #tpu.memory_space<vmem>> -> memref<1x128xf32, #tpu.memory_space<vmem>>
      %dma_start3A_455 = tpu.memref_squeeze %dma_start3A_454 : memref<1x128xf32, #tpu.memory_space<vmem>> -> memref<128xf32, #tpu.memory_space<vmem>>
      %dma_start3A_456 = arith.constant 0 : i32
      %dma_start3A_457 = tpu.memref_slice %arg10[%scan3A_203, %dma_start3A_456] : memref<81x128xi32, #tpu.memory_space<vmem>> -> memref<1x128xi32, #tpu.memory_space<vmem>>
      %dma_start3A_458 = tpu.memref_squeeze %dma_start3A_457 : memref<1x128xi32, #tpu.memory_space<vmem>> -> memref<128xi32, #tpu.memory_space<vmem>>
      %dma_start3A_459 = arith.constant 0 : i32
      %dma_start3A_460 = tpu.memref_slice %arg14[%dma_start3A_459] : memref<10008xf32, #tpu.memory_space<vmem_shared>> -> memref<10008xf32, #tpu.memory_space<vmem_shared>>
      tpu.enqueue_indirect_dma source(%dma_start3A_455 : memref<128xf32, #tpu.memory_space<vmem>>) target(%dma_start3A_460 : memref<10008xf32, #tpu.memory_space<vmem_shared>>) offsets(%dma_start3A_458 : memref<128xi32, #tpu.memory_space<vmem>>) semaphore(%arg16 : memref<!tpu.dma_semaphore, #tpu.memory_space<semaphore_mem>>) {add = true}
    }
    %scan3A_192 = arith.constant 81 : i32
    "tpu.region"() ({
      %run_scoped3A = tpu.sem_alloc : memref<!tpu.dma_semaphore, #tpu.memory_space<semaphore_mem>>
      %dma_start3A_203 = arith.constant 0 : i32
      %dma_start3A_204 = arith.constant 0 : i32
      %dma_start3A_205 = tpu.memref_slice %arg6[%add3A, %dma_start3A_203, %dma_start3A_204] : memref<32x81x128xf32, #tpu.memory_space<hbm>> -> memref<1x81x128xf32, #tpu.memory_space<hbm>>
      %dma_start3A_206 = tpu.memref_squeeze %dma_start3A_205 : memref<1x81x128xf32, #tpu.memory_space<hbm>> -> memref<81x128xf32, #tpu.memory_space<hbm>>
      %dma_start3A_207 = arith.constant 0 : i32
      %dma_start3A_208 = arith.constant 0 : i32
      %dma_start3A_209 = tpu.memref_slice %arg6[%add3A, %dma_start3A_207, %dma_start3A_208] : memref<32x81x128xf32, #tpu.memory_space<hbm>> -> memref<1x81x128xf32, #tpu.memory_space<hbm>>
      %dma_start3A_210 = tpu.memref_squeeze %dma_start3A_209 : memref<1x81x128xf32, #tpu.memory_space<hbm>> -> memref<81x128xf32, #tpu.memory_space<hbm>>
      tpu.enqueue_dma source(%arg12 : memref<81x128xf32, #tpu.memory_space<vmem>>) target(%dma_start3A_210 : memref<81x128xf32, #tpu.memory_space<hbm>>) target_semaphore(%run_scoped3A : memref<!tpu.dma_semaphore, #tpu.memory_space<semaphore_mem>>)
      %dma_wait3A_211 = arith.constant 0 : i32
      %dma_wait3A_212 = arith.constant 0 : i32
      %dma_wait3A_213 = tpu.memref_slice %arg6[%add3A, %dma_wait3A_211, %dma_wait3A_212] : memref<32x81x128xf32, #tpu.memory_space<hbm>> -> memref<1x81x128xf32, #tpu.memory_space<hbm>>
      %dma_wait3A_214 = tpu.memref_squeeze %dma_wait3A_213 : memref<1x81x128xf32, #tpu.memory_space<hbm>> -> memref<81x128xf32, #tpu.memory_space<hbm>>
      %dma_wait3A_215 = arith.constant 0 : i32
      %dma_wait3A_216 = arith.constant 0 : i32
      %dma_wait3A_217 = tpu.memref_slice %arg6[%add3A, %dma_wait3A_215, %dma_wait3A_216] : memref<32x81x128xf32, #tpu.memory_space<hbm>> -> memref<1x81x128xf32, #tpu.memory_space<hbm>>
      %dma_wait3A_218 = tpu.memref_squeeze %dma_wait3A_217 : memref<1x81x128xf32, #tpu.memory_space<hbm>> -> memref<81x128xf32, #tpu.memory_space<hbm>>
      tpu.wait_dma2 semaphore(%run_scoped3A : memref<!tpu.dma_semaphore, #tpu.memory_space<semaphore_mem>>) src(%arg12 : memref<81x128xf32, #tpu.memory_space<vmem>>) dst(%dma_wait3A_218 : memref<81x128xf32, #tpu.memory_space<hbm>>)
      tpu.yield
    }) : () -> ()
    %scan3A_193 = arith.constant 0 : i32
    %scan3A_194 = arith.constant 0 : i32
    %scan3A_195 = arith.constant 81 : i32
    %scan3A_196 = arith.addi %scan3A_194, %scan3A_195 : i32
    %scan3A_197 = arith.constant 1 : i32
    scf.for %scan3A_203 = %scan3A_194 to %scan3A_196 step %scan3A_197  : i32 {
      %dma_wait3A_204 = arith.constant 0 : i32
      %dma_wait3A_205 = tpu.memref_slice %arg12[%scan3A_203, %dma_wait3A_204] : memref<81x128xf32, #tpu.memory_space<vmem>> -> memref<1x128xf32, #tpu.memory_space<vmem>>
      %dma_wait3A_206 = tpu.memref_squeeze %dma_wait3A_205 : memref<1x128xf32, #tpu.memory_space<vmem>> -> memref<128xf32, #tpu.memory_space<vmem>>
      %dma_wait3A_207 = arith.constant 0 : i32
      %dma_wait3A_208 = tpu.memref_slice %arg10[%scan3A_203, %dma_wait3A_207] : memref<81x128xi32, #tpu.memory_space<vmem>> -> memref<1x128xi32, #tpu.memory_space<vmem>>
      %dma_wait3A_209 = tpu.memref_squeeze %dma_wait3A_208 : memref<1x128xi32, #tpu.memory_space<vmem>> -> memref<128xi32, #tpu.memory_space<vmem>>
      %dma_wait3A_210 = arith.constant 0 : i32
      %dma_wait3A_211 = tpu.memref_slice %arg14[%dma_wait3A_210] : memref<10008xf32, #tpu.memory_space<vmem_shared>> -> memref<10008xf32, #tpu.memory_space<vmem_shared>>
      tpu.wait_indirect_dma semaphore(%arg16 : memref<!tpu.dma_semaphore, #tpu.memory_space<semaphore_mem>>) src(%dma_wait3A_206 : memref<128xf32, #tpu.memory_space<vmem>>) dst(%dma_wait3A_211 : memref<10008xf32, #tpu.memory_space<vmem_shared>>)
    }
    %scan3A_198 = arith.constant 81 : i32
    %barrier3A_199 = arith.constant 0 : index
    tpu.barrier barrier_id(%barrier3A_199)
    "tpu.region"() ({
      %run_scoped3A = tpu.sem_alloc : memref<!tpu.dma_semaphore, #tpu.memory_space<semaphore_mem>>
      %dma_start3A_203 = tpu.memref_slice %arg14[%min3A_3] : memref<10008xf32, #tpu.memory_space<vmem_shared>> -> memref<632xf32, #tpu.memory_space<vmem_shared>>
      %dma_start3A_204 = tpu.memref_slice %arg14[%min3A_3] : memref<10008xf32, #tpu.memory_space<vmem_shared>> -> memref<632xf32, #tpu.memory_space<vmem_shared>>
      tpu.enqueue_dma source(%dma_start3A_204 : memref<632xf32, #tpu.memory_space<vmem_shared>>) target(%arg13 : memref<632xf32, #tpu.memory_space<vmem>>) target_semaphore(%run_scoped3A : memref<!tpu.dma_semaphore, #tpu.memory_space<semaphore_mem>>)
      %dma_wait3A_205 = tpu.memref_slice %arg14[%min3A_3] : memref<10008xf32, #tpu.memory_space<vmem_shared>> -> memref<632xf32, #tpu.memory_space<vmem_shared>>
      %dma_wait3A_206 = tpu.memref_slice %arg14[%min3A_3] : memref<10008xf32, #tpu.memory_space<vmem_shared>> -> memref<632xf32, #tpu.memory_space<vmem_shared>>
      tpu.wait_dma2 semaphore(%run_scoped3A : memref<!tpu.dma_semaphore, #tpu.memory_space<semaphore_mem>>) src(%dma_wait3A_206 : memref<632xf32, #tpu.memory_space<vmem_shared>>) dst(%arg13 : memref<632xf32, #tpu.memory_space<vmem>>)
      tpu.yield
    }) : () -> ()
    %mul3A_200 = arith.constant 10008 : i32
    %mul3A_201 = arith.muli %arg0, %mul3A_200 : i32
    %add3A_202 = arith.addi %mul3A_201, %min3A_3 : i32
    "tpu.region"() ({
      %run_scoped3A = tpu.sem_alloc : memref<!tpu.dma_semaphore, #tpu.memory_space<semaphore_mem>>
      %dma_start3A_203 = tpu.memref_slice %arg7[%add3A_202] : memref<20016xf32, #tpu.memory_space<hbm>> -> memref<632xf32, #tpu.memory_space<hbm>>
      %dma_start3A_204 = tpu.memref_slice %arg7[%add3A_202] : memref<20016xf32, #tpu.memory_space<hbm>> -> memref<632xf32, #tpu.memory_space<hbm>>
      tpu.enqueue_dma source(%arg13 : memref<632xf32, #tpu.memory_space<vmem>>) target(%dma_start3A_204 : memref<632xf32, #tpu.memory_space<hbm>>) target_semaphore(%run_scoped3A : memref<!tpu.dma_semaphore, #tpu.memory_space<semaphore_mem>>)
      %dma_wait3A_205 = tpu.memref_slice %arg7[%add3A_202] : memref<20016xf32, #tpu.memory_space<hbm>> -> memref<632xf32, #tpu.memory_space<hbm>>
      %dma_wait3A_206 = tpu.memref_slice %arg7[%add3A_202] : memref<20016xf32, #tpu.memory_space<hbm>> -> memref<632xf32, #tpu.memory_space<hbm>>
      tpu.wait_dma2 semaphore(%run_scoped3A : memref<!tpu.dma_semaphore, #tpu.memory_space<semaphore_mem>>) src(%arg13 : memref<632xf32, #tpu.memory_space<vmem>>) dst(%dma_wait3A_206 : memref<632xf32, #tpu.memory_space<hbm>>)
      tpu.yield
    }) : () -> ()
    return
  }
}

#map = affine_map<(d0, d1) -> (0, 0)>
#map1 = affine_map<(d0, d1) -> (0, 0, 0)>
module attributes {stable_mosaic.version = 14 : i64} {
  func.func @rows_kernel(%arg0: i32, %arg1: i32, %arg2: memref<10112x128xf32, #tpu.memory_space<hbm>>, %arg3: memref<32x81x128xi32, #tpu.memory_space<hbm>>, %arg4: memref<32x81x128xi32, #tpu.memory_space<hbm>>, %arg5: memref<32x81x128xf32, #tpu.memory_space<hbm>>, %arg6: memref<2x10008x128xf32, #tpu.memory_space<hbm>>, %arg7: memref<81x128xi32, #tpu.memory_space<vmem>>, %arg8: memref<81x128xi32, #tpu.memory_space<vmem>>, %arg9: memref<81x128xf32, #tpu.memory_space<vmem>>, %arg10: memref<128x128xf32, #tpu.memory_space<vmem>>, %arg11: memref<10008x128xf32, #tpu.memory_space<vmem_shared>>, %arg12: memref<!tpu.dma_semaphore, #tpu.memory_space<semaphore_mem>>) attributes {dimension_semantics = [#tpu.dimension_semantics<core_parallel>, #tpu.dimension_semantics<subcore_parallel>], iteration_bounds = array<i64: 2, 16>, scalar_prefetch = 0 : i64, scratch_operands = 6 : i64, tpu.core_type = #tpu.core_type<sc_vector_subcore>, window_params = [{transform_indices = #map}, {transform_indices = #map1}, {transform_indices = #map1}, {transform_indices = #map1}, {transform_indices = #map1}]} {
    %mul3A = arith.constant 2 : i32
    %mul3A_0 = arith.muli %arg1, %mul3A : i32
    %add3A = arith.addi %mul3A_0, %arg0 : i32
    %mul3A_1 = arith.constant 632 : i32
    %mul3A_2 = arith.muli %arg1, %mul3A_1 : i32
    %min3A = arith.constant 9376 : i32
    %min3A_3 = arith.minsi %mul3A_2, %min3A : i32
    %dma_start3A = arith.constant 0 : i32
    %dma_start3A_4 = arith.constant 0 : i32
    %dma_start3A_5 = tpu.memref_slice %arg3[%add3A, %dma_start3A, %dma_start3A_4] : memref<32x81x128xi32, #tpu.memory_space<hbm>> -> memref<1x81x128xi32, #tpu.memory_space<hbm>>
    %dma_start3A_6 = tpu.memref_squeeze %dma_start3A_5 : memref<1x81x128xi32, #tpu.memory_space<hbm>> -> memref<81x128xi32, #tpu.memory_space<hbm>>
    %dma_start3A_7 = arith.constant 0 : i32
    %dma_start3A_8 = arith.constant 0 : i32
    %dma_start3A_9 = tpu.memref_slice %arg3[%add3A, %dma_start3A_7, %dma_start3A_8] : memref<32x81x128xi32, #tpu.memory_space<hbm>> -> memref<1x81x128xi32, #tpu.memory_space<hbm>>
    %dma_start3A_10 = tpu.memref_squeeze %dma_start3A_9 : memref<1x81x128xi32, #tpu.memory_space<hbm>> -> memref<81x128xi32, #tpu.memory_space<hbm>>
    tpu.enqueue_dma source(%dma_start3A_10 : memref<81x128xi32, #tpu.memory_space<hbm>>) target(%arg7 : memref<81x128xi32, #tpu.memory_space<vmem>>) target_semaphore(%arg12 : memref<!tpu.dma_semaphore, #tpu.memory_space<semaphore_mem>>)
    %dma_start3A_11 = arith.constant 0 : i32
    %dma_start3A_12 = arith.constant 0 : i32
    %dma_start3A_13 = tpu.memref_slice %arg4[%add3A, %dma_start3A_11, %dma_start3A_12] : memref<32x81x128xi32, #tpu.memory_space<hbm>> -> memref<1x81x128xi32, #tpu.memory_space<hbm>>
    %dma_start3A_14 = tpu.memref_squeeze %dma_start3A_13 : memref<1x81x128xi32, #tpu.memory_space<hbm>> -> memref<81x128xi32, #tpu.memory_space<hbm>>
    %dma_start3A_15 = arith.constant 0 : i32
    %dma_start3A_16 = arith.constant 0 : i32
    %dma_start3A_17 = tpu.memref_slice %arg4[%add3A, %dma_start3A_15, %dma_start3A_16] : memref<32x81x128xi32, #tpu.memory_space<hbm>> -> memref<1x81x128xi32, #tpu.memory_space<hbm>>
    %dma_start3A_18 = tpu.memref_squeeze %dma_start3A_17 : memref<1x81x128xi32, #tpu.memory_space<hbm>> -> memref<81x128xi32, #tpu.memory_space<hbm>>
    tpu.enqueue_dma source(%dma_start3A_18 : memref<81x128xi32, #tpu.memory_space<hbm>>) target(%arg8 : memref<81x128xi32, #tpu.memory_space<vmem>>) target_semaphore(%arg12 : memref<!tpu.dma_semaphore, #tpu.memory_space<semaphore_mem>>)
    %dma_start3A_19 = arith.constant 0 : i32
    %dma_start3A_20 = arith.constant 0 : i32
    %dma_start3A_21 = tpu.memref_slice %arg5[%add3A, %dma_start3A_19, %dma_start3A_20] : memref<32x81x128xf32, #tpu.memory_space<hbm>> -> memref<1x81x128xf32, #tpu.memory_space<hbm>>
    %dma_start3A_22 = tpu.memref_squeeze %dma_start3A_21 : memref<1x81x128xf32, #tpu.memory_space<hbm>> -> memref<81x128xf32, #tpu.memory_space<hbm>>
    %dma_start3A_23 = arith.constant 0 : i32
    %dma_start3A_24 = arith.constant 0 : i32
    %dma_start3A_25 = tpu.memref_slice %arg5[%add3A, %dma_start3A_23, %dma_start3A_24] : memref<32x81x128xf32, #tpu.memory_space<hbm>> -> memref<1x81x128xf32, #tpu.memory_space<hbm>>
    %dma_start3A_26 = tpu.memref_squeeze %dma_start3A_25 : memref<1x81x128xf32, #tpu.memory_space<hbm>> -> memref<81x128xf32, #tpu.memory_space<hbm>>
    tpu.enqueue_dma source(%dma_start3A_26 : memref<81x128xf32, #tpu.memory_space<hbm>>) target(%arg9 : memref<81x128xf32, #tpu.memory_space<vmem>>) target_semaphore(%arg12 : memref<!tpu.dma_semaphore, #tpu.memory_space<semaphore_mem>>)
    %scan3A = arith.constant 0 : i32
    %scan3A_27 = arith.constant 0 : i32
    %scan3A_28 = arith.constant 128 : i32
    %scan3A_29 = arith.addi %scan3A_27, %scan3A_28 : i32
    %scan3A_30 = arith.constant 1 : i32
    scf.for %scan3A_72 = %scan3A_27 to %scan3A_29 step %scan3A_30  : i32 {
      %broadcast_in_dim3A = arith.constant 0.000000e+00 : f32
      %broadcast_in_dim3A_73 = vector.broadcast %broadcast_in_dim3A : f32 to vector<16xf32>
      %swap3A = arith.index_cast %scan3A_72 : i32 to index
      %swap3A_74 = arith.constant 0 : index
      %swap3A_75 = tpu.vector_load %arg10[%swap3A, %swap3A_74] {strides = array<i32>} : memref<128x128xf32, #tpu.memory_space<vmem>>, vector<16xf32>,
      tpu.vector_store %arg10[%swap3A, %swap3A_74], %broadcast_in_dim3A_73 {strides = array<i32>} : memref<128x128xf32, #tpu.memory_space<vmem>>, vector<16xf32>,
      %broadcast_in_dim3A_76 = arith.constant 0.000000e+00 : f32
      %broadcast_in_dim3A_77 = vector.broadcast %broadcast_in_dim3A_76 : f32 to vector<16xf32>
      %swap3A_78 = arith.index_cast %scan3A_72 : i32 to index
      %swap3A_79 = arith.constant 16 : index
      %swap3A_80 = tpu.vector_load %arg10[%swap3A_78, %swap3A_79] {strides = array<i32>} : memref<128x128xf32, #tpu.memory_space<vmem>>, vector<16xf32>,
      tpu.vector_store %arg10[%swap3A_78, %swap3A_79], %broadcast_in_dim3A_77 {strides = array<i32>} : memref<128x128xf32, #tpu.memory_space<vmem>>, vector<16xf32>,
      %broadcast_in_dim3A_81 = arith.constant 0.000000e+00 : f32
      %broadcast_in_dim3A_82 = vector.broadcast %broadcast_in_dim3A_81 : f32 to vector<16xf32>
      %swap3A_83 = arith.index_cast %scan3A_72 : i32 to index
      %swap3A_84 = arith.constant 32 : index
      %swap3A_85 = tpu.vector_load %arg10[%swap3A_83, %swap3A_84] {strides = array<i32>} : memref<128x128xf32, #tpu.memory_space<vmem>>, vector<16xf32>,
      tpu.vector_store %arg10[%swap3A_83, %swap3A_84], %broadcast_in_dim3A_82 {strides = array<i32>} : memref<128x128xf32, #tpu.memory_space<vmem>>, vector<16xf32>,
      %broadcast_in_dim3A_86 = arith.constant 0.000000e+00 : f32
      %broadcast_in_dim3A_87 = vector.broadcast %broadcast_in_dim3A_86 : f32 to vector<16xf32>
      %swap3A_88 = arith.index_cast %scan3A_72 : i32 to index
      %swap3A_89 = arith.constant 48 : index
      %swap3A_90 = tpu.vector_load %arg10[%swap3A_88, %swap3A_89] {strides = array<i32>} : memref<128x128xf32, #tpu.memory_space<vmem>>, vector<16xf32>,
      tpu.vector_store %arg10[%swap3A_88, %swap3A_89], %broadcast_in_dim3A_87 {strides = array<i32>} : memref<128x128xf32, #tpu.memory_space<vmem>>, vector<16xf32>,
      %broadcast_in_dim3A_91 = arith.constant 0.000000e+00 : f32
      %broadcast_in_dim3A_92 = vector.broadcast %broadcast_in_dim3A_91 : f32 to vector<16xf32>
      %swap3A_93 = arith.index_cast %scan3A_72 : i32 to index
      %swap3A_94 = arith.constant 64 : index
      %swap3A_95 = tpu.vector_load %arg10[%swap3A_93, %swap3A_94] {strides = array<i32>} : memref<128x128xf32, #tpu.memory_space<vmem>>, vector<16xf32>,
      tpu.vector_store %arg10[%swap3A_93, %swap3A_94], %broadcast_in_dim3A_92 {strides = array<i32>} : memref<128x128xf32, #tpu.memory_space<vmem>>, vector<16xf32>,
      %broadcast_in_dim3A_96 = arith.constant 0.000000e+00 : f32
      %broadcast_in_dim3A_97 = vector.broadcast %broadcast_in_dim3A_96 : f32 to vector<16xf32>
      %swap3A_98 = arith.index_cast %scan3A_72 : i32 to index
      %swap3A_99 = arith.constant 80 : index
      %swap3A_100 = tpu.vector_load %arg10[%swap3A_98, %swap3A_99] {strides = array<i32>} : memref<128x128xf32, #tpu.memory_space<vmem>>, vector<16xf32>,
      tpu.vector_store %arg10[%swap3A_98, %swap3A_99], %broadcast_in_dim3A_97 {strides = array<i32>} : memref<128x128xf32, #tpu.memory_space<vmem>>, vector<16xf32>,
      %broadcast_in_dim3A_101 = arith.constant 0.000000e+00 : f32
      %broadcast_in_dim3A_102 = vector.broadcast %broadcast_in_dim3A_101 : f32 to vector<16xf32>
      %swap3A_103 = arith.index_cast %scan3A_72 : i32 to index
      %swap3A_104 = arith.constant 96 : index
      %swap3A_105 = tpu.vector_load %arg10[%swap3A_103, %swap3A_104] {strides = array<i32>} : memref<128x128xf32, #tpu.memory_space<vmem>>, vector<16xf32>,
      tpu.vector_store %arg10[%swap3A_103, %swap3A_104], %broadcast_in_dim3A_102 {strides = array<i32>} : memref<128x128xf32, #tpu.memory_space<vmem>>, vector<16xf32>,
      %broadcast_in_dim3A_106 = arith.constant 0.000000e+00 : f32
      %broadcast_in_dim3A_107 = vector.broadcast %broadcast_in_dim3A_106 : f32 to vector<16xf32>
      %swap3A_108 = arith.index_cast %scan3A_72 : i32 to index
      %swap3A_109 = arith.constant 112 : index
      %swap3A_110 = tpu.vector_load %arg10[%swap3A_108, %swap3A_109] {strides = array<i32>} : memref<128x128xf32, #tpu.memory_space<vmem>>, vector<16xf32>,
      tpu.vector_store %arg10[%swap3A_108, %swap3A_109], %broadcast_in_dim3A_107 {strides = array<i32>} : memref<128x128xf32, #tpu.memory_space<vmem>>, vector<16xf32>,
    }
    %scan3A_31 = arith.constant 128 : i32
    %add3A_32 = arith.constant 0 : i32
    %add3A_33 = arith.addi %min3A_3, %add3A_32 : i32
    "tpu.region"() ({
      %run_scoped3A = tpu.sem_alloc : memref<!tpu.dma_semaphore, #tpu.memory_space<semaphore_mem>>
      %dma_start3A_72 = arith.constant 0 : i32
      %dma_start3A_73 = arith.constant 0 : i32
      %dma_start3A_74 = tpu.memref_slice %arg10[%dma_start3A_72, %dma_start3A_73] : memref<128x128xf32, #tpu.memory_space<vmem>> -> memref<128x128xf32, #tpu.memory_space<vmem>>
      %dma_start3A_75 = arith.constant 0 : i32
      %dma_start3A_76 = tpu.memref_slice %arg11[%add3A_33, %dma_start3A_75] : memref<10008x128xf32, #tpu.memory_space<vmem_shared>> -> memref<128x128xf32, #tpu.memory_space<vmem_shared>>
      %dma_start3A_77 = arith.constant 0 : i32
      %dma_start3A_78 = tpu.memref_slice %arg11[%add3A_33, %dma_start3A_77] : memref<10008x128xf32, #tpu.memory_space<vmem_shared>> -> memref<128x128xf32, #tpu.memory_space<vmem_shared>>
      %dma_start3A_79 = arith.constant 0 : i32
      %dma_start3A_80 = arith.constant 0 : i32
      %dma_start3A_81 = tpu.memref_slice %arg10[%dma_start3A_79, %dma_start3A_80] : memref<128x128xf32, #tpu.memory_space<vmem>> -> memref<128x128xf32, #tpu.memory_space<vmem>>
      tpu.enqueue_dma source(%dma_start3A_81 : memref<128x128xf32, #tpu.memory_space<vmem>>) target(%dma_start3A_78 : memref<128x128xf32, #tpu.memory_space<vmem_shared>>) target_semaphore(%run_scoped3A : memref<!tpu.dma_semaphore, #tpu.memory_space<semaphore_mem>>)
      %dma_wait3A_82 = arith.constant 0 : i32
      %dma_wait3A_83 = arith.constant 0 : i32
      %dma_wait3A_84 = tpu.memref_slice %arg10[%dma_wait3A_82, %dma_wait3A_83] : memref<128x128xf32, #tpu.memory_space<vmem>> -> memref<128x128xf32, #tpu.memory_space<vmem>>
      %dma_wait3A_85 = arith.constant 0 : i32
      %dma_wait3A_86 = tpu.memref_slice %arg11[%add3A_33, %dma_wait3A_85] : memref<10008x128xf32, #tpu.memory_space<vmem_shared>> -> memref<128x128xf32, #tpu.memory_space<vmem_shared>>
      %dma_wait3A_87 = arith.constant 0 : i32
      %dma_wait3A_88 = tpu.memref_slice %arg11[%add3A_33, %dma_wait3A_87] : memref<10008x128xf32, #tpu.memory_space<vmem_shared>> -> memref<128x128xf32, #tpu.memory_space<vmem_shared>>
      %dma_wait3A_89 = arith.constant 0 : i32
      %dma_wait3A_90 = arith.constant 0 : i32
      %dma_wait3A_91 = tpu.memref_slice %arg10[%dma_wait3A_89, %dma_wait3A_90] : memref<128x128xf32, #tpu.memory_space<vmem>> -> memref<128x128xf32, #tpu.memory_space<vmem>>
      tpu.wait_dma2 semaphore(%run_scoped3A : memref<!tpu.dma_semaphore, #tpu.memory_space<semaphore_mem>>) src(%dma_wait3A_91 : memref<128x128xf32, #tpu.memory_space<vmem>>) dst(%dma_wait3A_88 : memref<128x128xf32, #tpu.memory_space<vmem_shared>>)
      tpu.yield
    }) : () -> ()
    %add3A_34 = arith.constant 128 : i32
    %add3A_35 = arith.addi %min3A_3, %add3A_34 : i32
    "tpu.region"() ({
      %run_scoped3A = tpu.sem_alloc : memref<!tpu.dma_semaphore, #tpu.memory_space<semaphore_mem>>
      %dma_start3A_72 = arith.constant 0 : i32
      %dma_start3A_73 = arith.constant 0 : i32
      %dma_start3A_74 = tpu.memref_slice %arg10[%dma_start3A_72, %dma_start3A_73] : memref<128x128xf32, #tpu.memory_space<vmem>> -> memref<128x128xf32, #tpu.memory_space<vmem>>
      %dma_start3A_75 = arith.constant 0 : i32
      %dma_start3A_76 = tpu.memref_slice %arg11[%add3A_35, %dma_start3A_75] : memref<10008x128xf32, #tpu.memory_space<vmem_shared>> -> memref<128x128xf32, #tpu.memory_space<vmem_shared>>
      %dma_start3A_77 = arith.constant 0 : i32
      %dma_start3A_78 = tpu.memref_slice %arg11[%add3A_35, %dma_start3A_77] : memref<10008x128xf32, #tpu.memory_space<vmem_shared>> -> memref<128x128xf32, #tpu.memory_space<vmem_shared>>
      %dma_start3A_79 = arith.constant 0 : i32
      %dma_start3A_80 = arith.constant 0 : i32
      %dma_start3A_81 = tpu.memref_slice %arg10[%dma_start3A_79, %dma_start3A_80] : memref<128x128xf32, #tpu.memory_space<vmem>> -> memref<128x128xf32, #tpu.memory_space<vmem>>
      tpu.enqueue_dma source(%dma_start3A_81 : memref<128x128xf32, #tpu.memory_space<vmem>>) target(%dma_start3A_78 : memref<128x128xf32, #tpu.memory_space<vmem_shared>>) target_semaphore(%run_scoped3A : memref<!tpu.dma_semaphore, #tpu.memory_space<semaphore_mem>>)
      %dma_wait3A_82 = arith.constant 0 : i32
      %dma_wait3A_83 = arith.constant 0 : i32
      %dma_wait3A_84 = tpu.memref_slice %arg10[%dma_wait3A_82, %dma_wait3A_83] : memref<128x128xf32, #tpu.memory_space<vmem>> -> memref<128x128xf32, #tpu.memory_space<vmem>>
      %dma_wait3A_85 = arith.constant 0 : i32
      %dma_wait3A_86 = tpu.memref_slice %arg11[%add3A_35, %dma_wait3A_85] : memref<10008x128xf32, #tpu.memory_space<vmem_shared>> -> memref<128x128xf32, #tpu.memory_space<vmem_shared>>
      %dma_wait3A_87 = arith.constant 0 : i32
      %dma_wait3A_88 = tpu.memref_slice %arg11[%add3A_35, %dma_wait3A_87] : memref<10008x128xf32, #tpu.memory_space<vmem_shared>> -> memref<128x128xf32, #tpu.memory_space<vmem_shared>>
      %dma_wait3A_89 = arith.constant 0 : i32
      %dma_wait3A_90 = arith.constant 0 : i32
      %dma_wait3A_91 = tpu.memref_slice %arg10[%dma_wait3A_89, %dma_wait3A_90] : memref<128x128xf32, #tpu.memory_space<vmem>> -> memref<128x128xf32, #tpu.memory_space<vmem>>
      tpu.wait_dma2 semaphore(%run_scoped3A : memref<!tpu.dma_semaphore, #tpu.memory_space<semaphore_mem>>) src(%dma_wait3A_91 : memref<128x128xf32, #tpu.memory_space<vmem>>) dst(%dma_wait3A_88 : memref<128x128xf32, #tpu.memory_space<vmem_shared>>)
      tpu.yield
    }) : () -> ()
    %add3A_36 = arith.constant 256 : i32
    %add3A_37 = arith.addi %min3A_3, %add3A_36 : i32
    "tpu.region"() ({
      %run_scoped3A = tpu.sem_alloc : memref<!tpu.dma_semaphore, #tpu.memory_space<semaphore_mem>>
      %dma_start3A_72 = arith.constant 0 : i32
      %dma_start3A_73 = arith.constant 0 : i32
      %dma_start3A_74 = tpu.memref_slice %arg10[%dma_start3A_72, %dma_start3A_73] : memref<128x128xf32, #tpu.memory_space<vmem>> -> memref<128x128xf32, #tpu.memory_space<vmem>>
      %dma_start3A_75 = arith.constant 0 : i32
      %dma_start3A_76 = tpu.memref_slice %arg11[%add3A_37, %dma_start3A_75] : memref<10008x128xf32, #tpu.memory_space<vmem_shared>> -> memref<128x128xf32, #tpu.memory_space<vmem_shared>>
      %dma_start3A_77 = arith.constant 0 : i32
      %dma_start3A_78 = tpu.memref_slice %arg11[%add3A_37, %dma_start3A_77] : memref<10008x128xf32, #tpu.memory_space<vmem_shared>> -> memref<128x128xf32, #tpu.memory_space<vmem_shared>>
      %dma_start3A_79 = arith.constant 0 : i32
      %dma_start3A_80 = arith.constant 0 : i32
      %dma_start3A_81 = tpu.memref_slice %arg10[%dma_start3A_79, %dma_start3A_80] : memref<128x128xf32, #tpu.memory_space<vmem>> -> memref<128x128xf32, #tpu.memory_space<vmem>>
      tpu.enqueue_dma source(%dma_start3A_81 : memref<128x128xf32, #tpu.memory_space<vmem>>) target(%dma_start3A_78 : memref<128x128xf32, #tpu.memory_space<vmem_shared>>) target_semaphore(%run_scoped3A : memref<!tpu.dma_semaphore, #tpu.memory_space<semaphore_mem>>)
      %dma_wait3A_82 = arith.constant 0 : i32
      %dma_wait3A_83 = arith.constant 0 : i32
      %dma_wait3A_84 = tpu.memref_slice %arg10[%dma_wait3A_82, %dma_wait3A_83] : memref<128x128xf32, #tpu.memory_space<vmem>> -> memref<128x128xf32, #tpu.memory_space<vmem>>
      %dma_wait3A_85 = arith.constant 0 : i32
      %dma_wait3A_86 = tpu.memref_slice %arg11[%add3A_37, %dma_wait3A_85] : memref<10008x128xf32, #tpu.memory_space<vmem_shared>> -> memref<128x128xf32, #tpu.memory_space<vmem_shared>>
      %dma_wait3A_87 = arith.constant 0 : i32
      %dma_wait3A_88 = tpu.memref_slice %arg11[%add3A_37, %dma_wait3A_87] : memref<10008x128xf32, #tpu.memory_space<vmem_shared>> -> memref<128x128xf32, #tpu.memory_space<vmem_shared>>
      %dma_wait3A_89 = arith.constant 0 : i32
      %dma_wait3A_90 = arith.constant 0 : i32
      %dma_wait3A_91 = tpu.memref_slice %arg10[%dma_wait3A_89, %dma_wait3A_90] : memref<128x128xf32, #tpu.memory_space<vmem>> -> memref<128x128xf32, #tpu.memory_space<vmem>>
      tpu.wait_dma2 semaphore(%run_scoped3A : memref<!tpu.dma_semaphore, #tpu.memory_space<semaphore_mem>>) src(%dma_wait3A_91 : memref<128x128xf32, #tpu.memory_space<vmem>>) dst(%dma_wait3A_88 : memref<128x128xf32, #tpu.memory_space<vmem_shared>>)
      tpu.yield
    }) : () -> ()
    %add3A_38 = arith.constant 384 : i32
    %add3A_39 = arith.addi %min3A_3, %add3A_38 : i32
    "tpu.region"() ({
      %run_scoped3A = tpu.sem_alloc : memref<!tpu.dma_semaphore, #tpu.memory_space<semaphore_mem>>
      %dma_start3A_72 = arith.constant 0 : i32
      %dma_start3A_73 = arith.constant 0 : i32
      %dma_start3A_74 = tpu.memref_slice %arg10[%dma_start3A_72, %dma_start3A_73] : memref<128x128xf32, #tpu.memory_space<vmem>> -> memref<128x128xf32, #tpu.memory_space<vmem>>
      %dma_start3A_75 = arith.constant 0 : i32
      %dma_start3A_76 = tpu.memref_slice %arg11[%add3A_39, %dma_start3A_75] : memref<10008x128xf32, #tpu.memory_space<vmem_shared>> -> memref<128x128xf32, #tpu.memory_space<vmem_shared>>
      %dma_start3A_77 = arith.constant 0 : i32
      %dma_start3A_78 = tpu.memref_slice %arg11[%add3A_39, %dma_start3A_77] : memref<10008x128xf32, #tpu.memory_space<vmem_shared>> -> memref<128x128xf32, #tpu.memory_space<vmem_shared>>
      %dma_start3A_79 = arith.constant 0 : i32
      %dma_start3A_80 = arith.constant 0 : i32
      %dma_start3A_81 = tpu.memref_slice %arg10[%dma_start3A_79, %dma_start3A_80] : memref<128x128xf32, #tpu.memory_space<vmem>> -> memref<128x128xf32, #tpu.memory_space<vmem>>
      tpu.enqueue_dma source(%dma_start3A_81 : memref<128x128xf32, #tpu.memory_space<vmem>>) target(%dma_start3A_78 : memref<128x128xf32, #tpu.memory_space<vmem_shared>>) target_semaphore(%run_scoped3A : memref<!tpu.dma_semaphore, #tpu.memory_space<semaphore_mem>>)
      %dma_wait3A_82 = arith.constant 0 : i32
      %dma_wait3A_83 = arith.constant 0 : i32
      %dma_wait3A_84 = tpu.memref_slice %arg10[%dma_wait3A_82, %dma_wait3A_83] : memref<128x128xf32, #tpu.memory_space<vmem>> -> memref<128x128xf32, #tpu.memory_space<vmem>>
      %dma_wait3A_85 = arith.constant 0 : i32
      %dma_wait3A_86 = tpu.memref_slice %arg11[%add3A_39, %dma_wait3A_85] : memref<10008x128xf32, #tpu.memory_space<vmem_shared>> -> memref<128x128xf32, #tpu.memory_space<vmem_shared>>
      %dma_wait3A_87 = arith.constant 0 : i32
      %dma_wait3A_88 = tpu.memref_slice %arg11[%add3A_39, %dma_wait3A_87] : memref<10008x128xf32, #tpu.memory_space<vmem_shared>> -> memref<128x128xf32, #tpu.memory_space<vmem_shared>>
      %dma_wait3A_89 = arith.constant 0 : i32
      %dma_wait3A_90 = arith.constant 0 : i32
      %dma_wait3A_91 = tpu.memref_slice %arg10[%dma_wait3A_89, %dma_wait3A_90] : memref<128x128xf32, #tpu.memory_space<vmem>> -> memref<128x128xf32, #tpu.memory_space<vmem>>
      tpu.wait_dma2 semaphore(%run_scoped3A : memref<!tpu.dma_semaphore, #tpu.memory_space<semaphore_mem>>) src(%dma_wait3A_91 : memref<128x128xf32, #tpu.memory_space<vmem>>) dst(%dma_wait3A_88 : memref<128x128xf32, #tpu.memory_space<vmem_shared>>)
      tpu.yield
    }) : () -> ()
    %add3A_40 = arith.constant 512 : i32
    %add3A_41 = arith.addi %min3A_3, %add3A_40 : i32
    "tpu.region"() ({
      %run_scoped3A = tpu.sem_alloc : memref<!tpu.dma_semaphore, #tpu.memory_space<semaphore_mem>>
      %dma_start3A_72 = arith.constant 0 : i32
      %dma_start3A_73 = arith.constant 0 : i32
      %dma_start3A_74 = tpu.memref_slice %arg10[%dma_start3A_72, %dma_start3A_73] : memref<128x128xf32, #tpu.memory_space<vmem>> -> memref<120x128xf32, #tpu.memory_space<vmem>>
      %dma_start3A_75 = arith.constant 0 : i32
      %dma_start3A_76 = tpu.memref_slice %arg11[%add3A_41, %dma_start3A_75] : memref<10008x128xf32, #tpu.memory_space<vmem_shared>> -> memref<120x128xf32, #tpu.memory_space<vmem_shared>>
      %dma_start3A_77 = arith.constant 0 : i32
      %dma_start3A_78 = tpu.memref_slice %arg11[%add3A_41, %dma_start3A_77] : memref<10008x128xf32, #tpu.memory_space<vmem_shared>> -> memref<120x128xf32, #tpu.memory_space<vmem_shared>>
      %dma_start3A_79 = arith.constant 0 : i32
      %dma_start3A_80 = arith.constant 0 : i32
      %dma_start3A_81 = tpu.memref_slice %arg10[%dma_start3A_79, %dma_start3A_80] : memref<128x128xf32, #tpu.memory_space<vmem>> -> memref<120x128xf32, #tpu.memory_space<vmem>>
      tpu.enqueue_dma source(%dma_start3A_81 : memref<120x128xf32, #tpu.memory_space<vmem>>) target(%dma_start3A_78 : memref<120x128xf32, #tpu.memory_space<vmem_shared>>) target_semaphore(%run_scoped3A : memref<!tpu.dma_semaphore, #tpu.memory_space<semaphore_mem>>)
      %dma_wait3A_82 = arith.constant 0 : i32
      %dma_wait3A_83 = arith.constant 0 : i32
      %dma_wait3A_84 = tpu.memref_slice %arg10[%dma_wait3A_82, %dma_wait3A_83] : memref<128x128xf32, #tpu.memory_space<vmem>> -> memref<120x128xf32, #tpu.memory_space<vmem>>
      %dma_wait3A_85 = arith.constant 0 : i32
      %dma_wait3A_86 = tpu.memref_slice %arg11[%add3A_41, %dma_wait3A_85] : memref<10008x128xf32, #tpu.memory_space<vmem_shared>> -> memref<120x128xf32, #tpu.memory_space<vmem_shared>>
      %dma_wait3A_87 = arith.constant 0 : i32
      %dma_wait3A_88 = tpu.memref_slice %arg11[%add3A_41, %dma_wait3A_87] : memref<10008x128xf32, #tpu.memory_space<vmem_shared>> -> memref<120x128xf32, #tpu.memory_space<vmem_shared>>
      %dma_wait3A_89 = arith.constant 0 : i32
      %dma_wait3A_90 = arith.constant 0 : i32
      %dma_wait3A_91 = tpu.memref_slice %arg10[%dma_wait3A_89, %dma_wait3A_90] : memref<128x128xf32, #tpu.memory_space<vmem>> -> memref<120x128xf32, #tpu.memory_space<vmem>>
      tpu.wait_dma2 semaphore(%run_scoped3A : memref<!tpu.dma_semaphore, #tpu.memory_space<semaphore_mem>>) src(%dma_wait3A_91 : memref<120x128xf32, #tpu.memory_space<vmem>>) dst(%dma_wait3A_88 : memref<120x128xf32, #tpu.memory_space<vmem_shared>>)
      tpu.yield
    }) : () -> ()
    %dma_wait3A = arith.constant 0 : i32
    %dma_wait3A_42 = arith.constant 0 : i32
    %dma_wait3A_43 = tpu.memref_slice %arg3[%add3A, %dma_wait3A, %dma_wait3A_42] : memref<32x81x128xi32, #tpu.memory_space<hbm>> -> memref<1x81x128xi32, #tpu.memory_space<hbm>>
    %dma_wait3A_44 = tpu.memref_squeeze %dma_wait3A_43 : memref<1x81x128xi32, #tpu.memory_space<hbm>> -> memref<81x128xi32, #tpu.memory_space<hbm>>
    %dma_wait3A_45 = arith.constant 0 : i32
    %dma_wait3A_46 = arith.constant 0 : i32
    %dma_wait3A_47 = tpu.memref_slice %arg3[%add3A, %dma_wait3A_45, %dma_wait3A_46] : memref<32x81x128xi32, #tpu.memory_space<hbm>> -> memref<1x81x128xi32, #tpu.memory_space<hbm>>
    %dma_wait3A_48 = tpu.memref_squeeze %dma_wait3A_47 : memref<1x81x128xi32, #tpu.memory_space<hbm>> -> memref<81x128xi32, #tpu.memory_space<hbm>>
    tpu.wait_dma2 semaphore(%arg12 : memref<!tpu.dma_semaphore, #tpu.memory_space<semaphore_mem>>) src(%dma_wait3A_48 : memref<81x128xi32, #tpu.memory_space<hbm>>) dst(%arg7 : memref<81x128xi32, #tpu.memory_space<vmem>>)
    %dma_wait3A_49 = arith.constant 0 : i32
    %dma_wait3A_50 = arith.constant 0 : i32
    %dma_wait3A_51 = tpu.memref_slice %arg4[%add3A, %dma_wait3A_49, %dma_wait3A_50] : memref<32x81x128xi32, #tpu.memory_space<hbm>> -> memref<1x81x128xi32, #tpu.memory_space<hbm>>
    %dma_wait3A_52 = tpu.memref_squeeze %dma_wait3A_51 : memref<1x81x128xi32, #tpu.memory_space<hbm>> -> memref<81x128xi32, #tpu.memory_space<hbm>>
    %dma_wait3A_53 = arith.constant 0 : i32
    %dma_wait3A_54 = arith.constant 0 : i32
    %dma_wait3A_55 = tpu.memref_slice %arg4[%add3A, %dma_wait3A_53, %dma_wait3A_54] : memref<32x81x128xi32, #tpu.memory_space<hbm>> -> memref<1x81x128xi32, #tpu.memory_space<hbm>>
    %dma_wait3A_56 = tpu.memref_squeeze %dma_wait3A_55 : memref<1x81x128xi32, #tpu.memory_space<hbm>> -> memref<81x128xi32, #tpu.memory_space<hbm>>
    tpu.wait_dma2 semaphore(%arg12 : memref<!tpu.dma_semaphore, #tpu.memory_space<semaphore_mem>>) src(%dma_wait3A_56 : memref<81x128xi32, #tpu.memory_space<hbm>>) dst(%arg8 : memref<81x128xi32, #tpu.memory_space<vmem>>)
    %dma_wait3A_57 = arith.constant 0 : i32
    %dma_wait3A_58 = arith.constant 0 : i32
    %dma_wait3A_59 = tpu.memref_slice %arg5[%add3A, %dma_wait3A_57, %dma_wait3A_58] : memref<32x81x128xf32, #tpu.memory_space<hbm>> -> memref<1x81x128xf32, #tpu.memory_space<hbm>>
    %dma_wait3A_60 = tpu.memref_squeeze %dma_wait3A_59 : memref<1x81x128xf32, #tpu.memory_space<hbm>> -> memref<81x128xf32, #tpu.memory_space<hbm>>
    %dma_wait3A_61 = arith.constant 0 : i32
    %dma_wait3A_62 = arith.constant 0 : i32
    %dma_wait3A_63 = tpu.memref_slice %arg5[%add3A, %dma_wait3A_61, %dma_wait3A_62] : memref<32x81x128xf32, #tpu.memory_space<hbm>> -> memref<1x81x128xf32, #tpu.memory_space<hbm>>
    %dma_wait3A_64 = tpu.memref_squeeze %dma_wait3A_63 : memref<1x81x128xf32, #tpu.memory_space<hbm>> -> memref<81x128xf32, #tpu.memory_space<hbm>>
    tpu.wait_dma2 semaphore(%arg12 : memref<!tpu.dma_semaphore, #tpu.memory_space<semaphore_mem>>) src(%dma_wait3A_64 : memref<81x128xf32, #tpu.memory_space<hbm>>) dst(%arg9 : memref<81x128xf32, #tpu.memory_space<vmem>>)
    %barrier3A = arith.constant 0 : index
    tpu.barrier barrier_id(%barrier3A)
    %scan3A_65 = arith.constant 0 : i32
    %scan3A_66 = arith.constant 0 : i32
    %scan3A_67 = arith.constant 81 : i32
    %scan3A_68 = arith.addi %scan3A_66, %scan3A_67 : i32
    %scan3A_69 = arith.constant 1 : i32
    scf.for %scan3A_72 = %scan3A_66 to %scan3A_68 step %scan3A_69  : i32 {
      %dma_start3A_73 = arith.constant 0 : i32
      %dma_start3A_74 = tpu.memref_slice %arg8[%scan3A_72, %dma_start3A_73] : memref<81x128xi32, #tpu.memory_space<vmem>> -> memref<1x128xi32, #tpu.memory_space<vmem>>
      %dma_start3A_75 = tpu.memref_squeeze %dma_start3A_74 : memref<1x128xi32, #tpu.memory_space<vmem>> -> memref<128xi32, #tpu.memory_space<vmem>>
      %dma_start3A_76 = arith.constant 0 : i32
      %dma_start3A_77 = arith.constant 0 : i32
      %dma_start3A_78 = tpu.memref_slice %arg2[%dma_start3A_76, %dma_start3A_77] : memref<10112x128xf32, #tpu.memory_space<hbm>> -> memref<10112x128xf32, #tpu.memory_space<hbm>>
      tpu.enqueue_indirect_dma source(%dma_start3A_78 : memref<10112x128xf32, #tpu.memory_space<hbm>>) target(%arg10 : memref<128x128xf32, #tpu.memory_space<vmem>>) offsets(%dma_start3A_75 : memref<128xi32, #tpu.memory_space<vmem>>) semaphore(%arg12 : memref<!tpu.dma_semaphore, #tpu.memory_space<semaphore_mem>>)
      %dma_wait3A_79 = arith.constant 0 : i32
      %dma_wait3A_80 = tpu.memref_slice %arg8[%scan3A_72, %dma_wait3A_79] : memref<81x128xi32, #tpu.memory_space<vmem>> -> memref<1x128xi32, #tpu.memory_space<vmem>>
      %dma_wait3A_81 = tpu.memref_squeeze %dma_wait3A_80 : memref<1x128xi32, #tpu.memory_space<vmem>> -> memref<128xi32, #tpu.memory_space<vmem>>
      %dma_wait3A_82 = arith.constant 0 : i32
      %dma_wait3A_83 = arith.constant 0 : i32
      %dma_wait3A_84 = tpu.memref_slice %arg2[%dma_wait3A_82, %dma_wait3A_83] : memref<10112x128xf32, #tpu.memory_space<hbm>> -> memref<10112x128xf32, #tpu.memory_space<hbm>>
      tpu.wait_indirect_dma semaphore(%arg12 : memref<!tpu.dma_semaphore, #tpu.memory_space<semaphore_mem>>) src(%dma_wait3A_84 : memref<10112x128xf32, #tpu.memory_space<hbm>>) dst(%arg10 : memref<128x128xf32, #tpu.memory_space<vmem>>)
      %broadcast_in_dim3A = vector.broadcast %scan3A_72 : i32 to vector<16xi32>
      %scan3A_85 = arith.constant 0 : i32
      %scan3A_86 = arith.constant 0 : i32
      %scan3A_87 = arith.constant 64 : i32
      %scan3A_88 = arith.addi %scan3A_86, %scan3A_87 : i32
      %scan3A_89 = arith.constant 1 : i32
      scf.for %scan3A_91 = %scan3A_86 to %scan3A_88 step %scan3A_89  : i32 {
        %mul3A_92 = arith.constant 2 : i32
        %mul3A_93 = arith.muli %scan3A_91, %mul3A_92 : i32
        %broadcast_in_dim3A_94 = vector.broadcast %mul3A_93 : i32 to vector<16xi32>
        %gather3A = tpu.vector_load_idx %arg9[%broadcast_in_dim3A, %broadcast_in_dim3A_94] : memref<81x128xf32, #tpu.memory_space<vmem>>[vector<16xi32>, vector<16xi32>], vector<16xf32>,
        %add3A_95 = arith.constant 1 : i32
        %add3A_96 = arith.addi %mul3A_93, %add3A_95 : i32
        %broadcast_in_dim3A_97 = vector.broadcast %add3A_96 : i32 to vector<16xi32>
        %gather3A_98 = tpu.vector_load_idx %arg9[%broadcast_in_dim3A, %broadcast_in_dim3A_97] : memref<81x128xf32, #tpu.memory_space<vmem>>[vector<16xi32>, vector<16xi32>], vector<16xf32>,
        %get3A = arith.index_cast %mul3A_93 : i32 to index
        %get3A_99 = arith.constant 0 : index
        %get3A_100 = tpu.vector_load %arg10[%get3A, %get3A_99] {strides = array<i32>} : memref<128x128xf32, #tpu.memory_space<vmem>>, vector<16xf32>,
        %mul3A_101 = arith.mulf %get3A_100, %gather3A : vector<16xf32>
        %swap3A = arith.index_cast %mul3A_93 : i32 to index
        %swap3A_102 = arith.constant 0 : index
        %swap3A_103 = tpu.vector_load %arg10[%swap3A, %swap3A_102] {strides = array<i32>} : memref<128x128xf32, #tpu.memory_space<vmem>>, vector<16xf32>,
        tpu.vector_store %arg10[%swap3A, %swap3A_102], %mul3A_101 {strides = array<i32>} : memref<128x128xf32, #tpu.memory_space<vmem>>, vector<16xf32>,
        %get3A_104 = arith.index_cast %mul3A_93 : i32 to index
        %get3A_105 = arith.constant 16 : index
        %get3A_106 = tpu.vector_load %arg10[%get3A_104, %get3A_105] {strides = array<i32>} : memref<128x128xf32, #tpu.memory_space<vmem>>, vector<16xf32>,
        %mul3A_107 = arith.mulf %get3A_106, %gather3A : vector<16xf32>
        %swap3A_108 = arith.index_cast %mul3A_93 : i32 to index
        %swap3A_109 = arith.constant 16 : index
        %swap3A_110 = tpu.vector_load %arg10[%swap3A_108, %swap3A_109] {strides = array<i32>} : memref<128x128xf32, #tpu.memory_space<vmem>>, vector<16xf32>,
        tpu.vector_store %arg10[%swap3A_108, %swap3A_109], %mul3A_107 {strides = array<i32>} : memref<128x128xf32, #tpu.memory_space<vmem>>, vector<16xf32>,
        %get3A_111 = arith.index_cast %mul3A_93 : i32 to index
        %get3A_112 = arith.constant 32 : index
        %get3A_113 = tpu.vector_load %arg10[%get3A_111, %get3A_112] {strides = array<i32>} : memref<128x128xf32, #tpu.memory_space<vmem>>, vector<16xf32>,
        %mul3A_114 = arith.mulf %get3A_113, %gather3A : vector<16xf32>
        %swap3A_115 = arith.index_cast %mul3A_93 : i32 to index
        %swap3A_116 = arith.constant 32 : index
        %swap3A_117 = tpu.vector_load %arg10[%swap3A_115, %swap3A_116] {strides = array<i32>} : memref<128x128xf32, #tpu.memory_space<vmem>>, vector<16xf32>,
        tpu.vector_store %arg10[%swap3A_115, %swap3A_116], %mul3A_114 {strides = array<i32>} : memref<128x128xf32, #tpu.memory_space<vmem>>, vector<16xf32>,
        %get3A_118 = arith.index_cast %mul3A_93 : i32 to index
        %get3A_119 = arith.constant 48 : index
        %get3A_120 = tpu.vector_load %arg10[%get3A_118, %get3A_119] {strides = array<i32>} : memref<128x128xf32, #tpu.memory_space<vmem>>, vector<16xf32>,
        %mul3A_121 = arith.mulf %get3A_120, %gather3A : vector<16xf32>
        %swap3A_122 = arith.index_cast %mul3A_93 : i32 to index
        %swap3A_123 = arith.constant 48 : index
        %swap3A_124 = tpu.vector_load %arg10[%swap3A_122, %swap3A_123] {strides = array<i32>} : memref<128x128xf32, #tpu.memory_space<vmem>>, vector<16xf32>,
        tpu.vector_store %arg10[%swap3A_122, %swap3A_123], %mul3A_121 {strides = array<i32>} : memref<128x128xf32, #tpu.memory_space<vmem>>, vector<16xf32>,
        %get3A_125 = arith.index_cast %mul3A_93 : i32 to index
        %get3A_126 = arith.constant 64 : index
        %get3A_127 = tpu.vector_load %arg10[%get3A_125, %get3A_126] {strides = array<i32>} : memref<128x128xf32, #tpu.memory_space<vmem>>, vector<16xf32>,
        %mul3A_128 = arith.mulf %get3A_127, %gather3A : vector<16xf32>
        %swap3A_129 = arith.index_cast %mul3A_93 : i32 to index
        %swap3A_130 = arith.constant 64 : index
        %swap3A_131 = tpu.vector_load %arg10[%swap3A_129, %swap3A_130] {strides = array<i32>} : memref<128x128xf32, #tpu.memory_space<vmem>>, vector<16xf32>,
        tpu.vector_store %arg10[%swap3A_129, %swap3A_130], %mul3A_128 {strides = array<i32>} : memref<128x128xf32, #tpu.memory_space<vmem>>, vector<16xf32>,
        %get3A_132 = arith.index_cast %mul3A_93 : i32 to index
        %get3A_133 = arith.constant 80 : index
        %get3A_134 = tpu.vector_load %arg10[%get3A_132, %get3A_133] {strides = array<i32>} : memref<128x128xf32, #tpu.memory_space<vmem>>, vector<16xf32>,
        %mul3A_135 = arith.mulf %get3A_134, %gather3A : vector<16xf32>
        %swap3A_136 = arith.index_cast %mul3A_93 : i32 to index
        %swap3A_137 = arith.constant 80 : index
        %swap3A_138 = tpu.vector_load %arg10[%swap3A_136, %swap3A_137] {strides = array<i32>} : memref<128x128xf32, #tpu.memory_space<vmem>>, vector<16xf32>,
        tpu.vector_store %arg10[%swap3A_136, %swap3A_137], %mul3A_135 {strides = array<i32>} : memref<128x128xf32, #tpu.memory_space<vmem>>, vector<16xf32>,
        %get3A_139 = arith.index_cast %mul3A_93 : i32 to index
        %get3A_140 = arith.constant 96 : index
        %get3A_141 = tpu.vector_load %arg10[%get3A_139, %get3A_140] {strides = array<i32>} : memref<128x128xf32, #tpu.memory_space<vmem>>, vector<16xf32>,
        %mul3A_142 = arith.mulf %get3A_141, %gather3A : vector<16xf32>
        %swap3A_143 = arith.index_cast %mul3A_93 : i32 to index
        %swap3A_144 = arith.constant 96 : index
        %swap3A_145 = tpu.vector_load %arg10[%swap3A_143, %swap3A_144] {strides = array<i32>} : memref<128x128xf32, #tpu.memory_space<vmem>>, vector<16xf32>,
        tpu.vector_store %arg10[%swap3A_143, %swap3A_144], %mul3A_142 {strides = array<i32>} : memref<128x128xf32, #tpu.memory_space<vmem>>, vector<16xf32>,
        %get3A_146 = arith.index_cast %mul3A_93 : i32 to index
        %get3A_147 = arith.constant 112 : index
        %get3A_148 = tpu.vector_load %arg10[%get3A_146, %get3A_147] {strides = array<i32>} : memref<128x128xf32, #tpu.memory_space<vmem>>, vector<16xf32>,
        %mul3A_149 = arith.mulf %get3A_148, %gather3A : vector<16xf32>
        %swap3A_150 = arith.index_cast %mul3A_93 : i32 to index
        %swap3A_151 = arith.constant 112 : index
        %swap3A_152 = tpu.vector_load %arg10[%swap3A_150, %swap3A_151] {strides = array<i32>} : memref<128x128xf32, #tpu.memory_space<vmem>>, vector<16xf32>,
        tpu.vector_store %arg10[%swap3A_150, %swap3A_151], %mul3A_149 {strides = array<i32>} : memref<128x128xf32, #tpu.memory_space<vmem>>, vector<16xf32>,
        %add3A_153 = arith.constant 1 : i32
        %add3A_154 = arith.addi %mul3A_93, %add3A_153 : i32
        %get3A_155 = arith.index_cast %add3A_154 : i32 to index
        %get3A_156 = arith.constant 0 : index
        %get3A_157 = tpu.vector_load %arg10[%get3A_155, %get3A_156] {strides = array<i32>} : memref<128x128xf32, #tpu.memory_space<vmem>>, vector<16xf32>,
        %mul3A_158 = arith.mulf %get3A_157, %gather3A_98 : vector<16xf32>
        %add3A_159 = arith.constant 1 : i32
        %add3A_160 = arith.addi %mul3A_93, %add3A_159 : i32
        %swap3A_161 = arith.index_cast %add3A_160 : i32 to index
        %swap3A_162 = arith.constant 0 : index
        %swap3A_163 = tpu.vector_load %arg10[%swap3A_161, %swap3A_162] {strides = array<i32>} : memref<128x128xf32, #tpu.memory_space<vmem>>, vector<16xf32>,
        tpu.vector_store %arg10[%swap3A_161, %swap3A_162], %mul3A_158 {strides = array<i32>} : memref<128x128xf32, #tpu.memory_space<vmem>>, vector<16xf32>,
        %add3A_164 = arith.constant 1 : i32
        %add3A_165 = arith.addi %mul3A_93, %add3A_164 : i32
        %get3A_166 = arith.index_cast %add3A_165 : i32 to index
        %get3A_167 = arith.constant 16 : index
        %get3A_168 = tpu.vector_load %arg10[%get3A_166, %get3A_167] {strides = array<i32>} : memref<128x128xf32, #tpu.memory_space<vmem>>, vector<16xf32>,
        %mul3A_169 = arith.mulf %get3A_168, %gather3A_98 : vector<16xf32>
        %add3A_170 = arith.constant 1 : i32
        %add3A_171 = arith.addi %mul3A_93, %add3A_170 : i32
        %swap3A_172 = arith.index_cast %add3A_171 : i32 to index
        %swap3A_173 = arith.constant 16 : index
        %swap3A_174 = tpu.vector_load %arg10[%swap3A_172, %swap3A_173] {strides = array<i32>} : memref<128x128xf32, #tpu.memory_space<vmem>>, vector<16xf32>,
        tpu.vector_store %arg10[%swap3A_172, %swap3A_173], %mul3A_169 {strides = array<i32>} : memref<128x128xf32, #tpu.memory_space<vmem>>, vector<16xf32>,
        %add3A_175 = arith.constant 1 : i32
        %add3A_176 = arith.addi %mul3A_93, %add3A_175 : i32
        %get3A_177 = arith.index_cast %add3A_176 : i32 to index
        %get3A_178 = arith.constant 32 : index
        %get3A_179 = tpu.vector_load %arg10[%get3A_177, %get3A_178] {strides = array<i32>} : memref<128x128xf32, #tpu.memory_space<vmem>>, vector<16xf32>,
        %mul3A_180 = arith.mulf %get3A_179, %gather3A_98 : vector<16xf32>
        %add3A_181 = arith.constant 1 : i32
        %add3A_182 = arith.addi %mul3A_93, %add3A_181 : i32
        %swap3A_183 = arith.index_cast %add3A_182 : i32 to index
        %swap3A_184 = arith.constant 32 : index
        %swap3A_185 = tpu.vector_load %arg10[%swap3A_183, %swap3A_184] {strides = array<i32>} : memref<128x128xf32, #tpu.memory_space<vmem>>, vector<16xf32>,
        tpu.vector_store %arg10[%swap3A_183, %swap3A_184], %mul3A_180 {strides = array<i32>} : memref<128x128xf32, #tpu.memory_space<vmem>>, vector<16xf32>,
        %add3A_186 = arith.constant 1 : i32
        %add3A_187 = arith.addi %mul3A_93, %add3A_186 : i32
        %get3A_188 = arith.index_cast %add3A_187 : i32 to index
        %get3A_189 = arith.constant 48 : index
        %get3A_190 = tpu.vector_load %arg10[%get3A_188, %get3A_189] {strides = array<i32>} : memref<128x128xf32, #tpu.memory_space<vmem>>, vector<16xf32>,
        %mul3A_191 = arith.mulf %get3A_190, %gather3A_98 : vector<16xf32>
        %add3A_192 = arith.constant 1 : i32
        %add3A_193 = arith.addi %mul3A_93, %add3A_192 : i32
        %swap3A_194 = arith.index_cast %add3A_193 : i32 to index
        %swap3A_195 = arith.constant 48 : index
        %swap3A_196 = tpu.vector_load %arg10[%swap3A_194, %swap3A_195] {strides = array<i32>} : memref<128x128xf32, #tpu.memory_space<vmem>>, vector<16xf32>,
        tpu.vector_store %arg10[%swap3A_194, %swap3A_195], %mul3A_191 {strides = array<i32>} : memref<128x128xf32, #tpu.memory_space<vmem>>, vector<16xf32>,
        %add3A_197 = arith.constant 1 : i32
        %add3A_198 = arith.addi %mul3A_93, %add3A_197 : i32
        %get3A_199 = arith.index_cast %add3A_198 : i32 to index
        %get3A_200 = arith.constant 64 : index
        %get3A_201 = tpu.vector_load %arg10[%get3A_199, %get3A_200] {strides = array<i32>} : memref<128x128xf32, #tpu.memory_space<vmem>>, vector<16xf32>,
        %mul3A_202 = arith.mulf %get3A_201, %gather3A_98 : vector<16xf32>
        %add3A_203 = arith.constant 1 : i32
        %add3A_204 = arith.addi %mul3A_93, %add3A_203 : i32
        %swap3A_205 = arith.index_cast %add3A_204 : i32 to index
        %swap3A_206 = arith.constant 64 : index
        %swap3A_207 = tpu.vector_load %arg10[%swap3A_205, %swap3A_206] {strides = array<i32>} : memref<128x128xf32, #tpu.memory_space<vmem>>, vector<16xf32>,
        tpu.vector_store %arg10[%swap3A_205, %swap3A_206], %mul3A_202 {strides = array<i32>} : memref<128x128xf32, #tpu.memory_space<vmem>>, vector<16xf32>,
        %add3A_208 = arith.constant 1 : i32
        %add3A_209 = arith.addi %mul3A_93, %add3A_208 : i32
        %get3A_210 = arith.index_cast %add3A_209 : i32 to index
        %get3A_211 = arith.constant 80 : index
        %get3A_212 = tpu.vector_load %arg10[%get3A_210, %get3A_211] {strides = array<i32>} : memref<128x128xf32, #tpu.memory_space<vmem>>, vector<16xf32>,
        %mul3A_213 = arith.mulf %get3A_212, %gather3A_98 : vector<16xf32>
        %add3A_214 = arith.constant 1 : i32
        %add3A_215 = arith.addi %mul3A_93, %add3A_214 : i32
        %swap3A_216 = arith.index_cast %add3A_215 : i32 to index
        %swap3A_217 = arith.constant 80 : index
        %swap3A_218 = tpu.vector_load %arg10[%swap3A_216, %swap3A_217] {strides = array<i32>} : memref<128x128xf32, #tpu.memory_space<vmem>>, vector<16xf32>,
        tpu.vector_store %arg10[%swap3A_216, %swap3A_217], %mul3A_213 {strides = array<i32>} : memref<128x128xf32, #tpu.memory_space<vmem>>, vector<16xf32>,
        %add3A_219 = arith.constant 1 : i32
        %add3A_220 = arith.addi %mul3A_93, %add3A_219 : i32
        %get3A_221 = arith.index_cast %add3A_220 : i32 to index
        %get3A_222 = arith.constant 96 : index
        %get3A_223 = tpu.vector_load %arg10[%get3A_221, %get3A_222] {strides = array<i32>} : memref<128x128xf32, #tpu.memory_space<vmem>>, vector<16xf32>,
        %mul3A_224 = arith.mulf %get3A_223, %gather3A_98 : vector<16xf32>
        %add3A_225 = arith.constant 1 : i32
        %add3A_226 = arith.addi %mul3A_93, %add3A_225 : i32
        %swap3A_227 = arith.index_cast %add3A_226 : i32 to index
        %swap3A_228 = arith.constant 96 : index
        %swap3A_229 = tpu.vector_load %arg10[%swap3A_227, %swap3A_228] {strides = array<i32>} : memref<128x128xf32, #tpu.memory_space<vmem>>, vector<16xf32>,
        tpu.vector_store %arg10[%swap3A_227, %swap3A_228], %mul3A_224 {strides = array<i32>} : memref<128x128xf32, #tpu.memory_space<vmem>>, vector<16xf32>,
        %add3A_230 = arith.constant 1 : i32
        %add3A_231 = arith.addi %mul3A_93, %add3A_230 : i32
        %get3A_232 = arith.index_cast %add3A_231 : i32 to index
        %get3A_233 = arith.constant 112 : index
        %get3A_234 = tpu.vector_load %arg10[%get3A_232, %get3A_233] {strides = array<i32>} : memref<128x128xf32, #tpu.memory_space<vmem>>, vector<16xf32>,
        %mul3A_235 = arith.mulf %get3A_234, %gather3A_98 : vector<16xf32>
        %add3A_236 = arith.constant 1 : i32
        %add3A_237 = arith.addi %mul3A_93, %add3A_236 : i32
        %swap3A_238 = arith.index_cast %add3A_237 : i32 to index
        %swap3A_239 = arith.constant 112 : index
        %swap3A_240 = tpu.vector_load %arg10[%swap3A_238, %swap3A_239] {strides = array<i32>} : memref<128x128xf32, #tpu.memory_space<vmem>>, vector<16xf32>,
        tpu.vector_store %arg10[%swap3A_238, %swap3A_239], %mul3A_235 {strides = array<i32>} : memref<128x128xf32, #tpu.memory_space<vmem>>, vector<16xf32>,
      }
      %scan3A_90 = arith.constant 64 : i32
      "tpu.region"() ({
        %run_scoped3A = tpu.sem_alloc : memref<!tpu.dma_semaphore, #tpu.memory_space<semaphore_mem>>
        %dma_start3A_91 = arith.constant 0 : i32
        %dma_start3A_92 = tpu.memref_slice %arg7[%scan3A_72, %dma_start3A_91] : memref<81x128xi32, #tpu.memory_space<vmem>> -> memref<1x128xi32, #tpu.memory_space<vmem>>
        %dma_start3A_93 = tpu.memref_squeeze %dma_start3A_92 : memref<1x128xi32, #tpu.memory_space<vmem>> -> memref<128xi32, #tpu.memory_space<vmem>>
        %dma_start3A_94 = arith.constant 0 : i32
        %dma_start3A_95 = arith.constant 0 : i32
        %dma_start3A_96 = tpu.memref_slice %arg11[%dma_start3A_94, %dma_start3A_95] : memref<10008x128xf32, #tpu.memory_space<vmem_shared>> -> memref<10008x128xf32, #tpu.memory_space<vmem_shared>>
        tpu.enqueue_indirect_dma source(%arg10 : memref<128x128xf32, #tpu.memory_space<vmem>>) target(%dma_start3A_96 : memref<10008x128xf32, #tpu.memory_space<vmem_shared>>) offsets(%dma_start3A_93 : memref<128xi32, #tpu.memory_space<vmem>>) semaphore(%run_scoped3A : memref<!tpu.dma_semaphore, #tpu.memory_space<semaphore_mem>>) {add = true}
        %dma_wait3A_97 = arith.constant 0 : i32
        %dma_wait3A_98 = tpu.memref_slice %arg7[%scan3A_72, %dma_wait3A_97] : memref<81x128xi32, #tpu.memory_space<vmem>> -> memref<1x128xi32, #tpu.memory_space<vmem>>
        %dma_wait3A_99 = tpu.memref_squeeze %dma_wait3A_98 : memref<1x128xi32, #tpu.memory_space<vmem>> -> memref<128xi32, #tpu.memory_space<vmem>>
        %dma_wait3A_100 = arith.constant 0 : i32
        %dma_wait3A_101 = arith.constant 0 : i32
        %dma_wait3A_102 = tpu.memref_slice %arg11[%dma_wait3A_100, %dma_wait3A_101] : memref<10008x128xf32, #tpu.memory_space<vmem_shared>> -> memref<10008x128xf32, #tpu.memory_space<vmem_shared>>
        tpu.wait_indirect_dma semaphore(%run_scoped3A : memref<!tpu.dma_semaphore, #tpu.memory_space<semaphore_mem>>) src(%arg10 : memref<128x128xf32, #tpu.memory_space<vmem>>) dst(%dma_wait3A_102 : memref<10008x128xf32, #tpu.memory_space<vmem_shared>>)
        tpu.yield
      }) : () -> ()
    }
    %scan3A_70 = arith.constant 81 : i32
    %barrier3A_71 = arith.constant 0 : index
    tpu.barrier barrier_id(%barrier3A_71)
    "tpu.region"() ({
      %run_scoped3A = tpu.sem_alloc : memref<!tpu.dma_semaphore, #tpu.memory_space<semaphore_mem>>
      %dma_start3A_72 = arith.constant 0 : i32
      %dma_start3A_73 = tpu.memref_slice %arg6[%arg0, %min3A_3, %dma_start3A_72] : memref<2x10008x128xf32, #tpu.memory_space<hbm>> -> memref<1x632x128xf32, #tpu.memory_space<hbm>>
      %dma_start3A_74 = tpu.memref_squeeze %dma_start3A_73 : memref<1x632x128xf32, #tpu.memory_space<hbm>> -> memref<632x128xf32, #tpu.memory_space<hbm>>
      %dma_start3A_75 = arith.constant 0 : i32
      %dma_start3A_76 = tpu.memref_slice %arg11[%min3A_3, %dma_start3A_75] : memref<10008x128xf32, #tpu.memory_space<vmem_shared>> -> memref<632x128xf32, #tpu.memory_space<vmem_shared>>
      tpu.enqueue_dma source(%dma_start3A_76 : memref<632x128xf32, #tpu.memory_space<vmem_shared>>) target(%dma_start3A_74 : memref<632x128xf32, #tpu.memory_space<hbm>>) target_semaphore(%run_scoped3A : memref<!tpu.dma_semaphore, #tpu.memory_space<semaphore_mem>>)
      %dma_wait3A_77 = arith.constant 0 : i32
      %dma_wait3A_78 = tpu.memref_slice %arg6[%arg0, %min3A_3, %dma_wait3A_77] : memref<2x10008x128xf32, #tpu.memory_space<hbm>> -> memref<1x632x128xf32, #tpu.memory_space<hbm>>
      %dma_wait3A_79 = tpu.memref_squeeze %dma_wait3A_78 : memref<1x632x128xf32, #tpu.memory_space<hbm>> -> memref<632x128xf32, #tpu.memory_space<hbm>>
      %dma_wait3A_80 = arith.constant 0 : i32
      %dma_wait3A_81 = tpu.memref_slice %arg11[%min3A_3, %dma_wait3A_80] : memref<10008x128xf32, #tpu.memory_space<vmem_shared>> -> memref<632x128xf32, #tpu.memory_space<vmem_shared>>
      tpu.wait_dma2 semaphore(%run_scoped3A : memref<!tpu.dma_semaphore, #tpu.memory_space<semaphore_mem>>) src(%dma_wait3A_81 : memref<632x128xf32, #tpu.memory_space<vmem_shared>>) dst(%dma_wait3A_79 : memref<632x128xf32, #tpu.memory_space<hbm>>)
      tpu.yield
    }) : () -> ()
    return
  }
}

module attributes {stable_mosaic.version = 14 : i64} {
  func.func @_matmul_scores_kernel(%arg0: i32, %arg1: memref<128x128xf32, #tpu.memory_space<vmem>>, %arg2: memref<128x128xf32, #tpu.memory_space<vmem>>, %arg3: memref<128x8xf32, #tpu.memory_space<vmem>>, %arg4: memref<128x128xf32, #tpu.memory_space<vmem>>, %arg5: memref<8x128xf32, #tpu.memory_space<vmem>>) attributes {dimension_semantics = [#tpu.dimension_semantics<arbitrary>], iteration_bounds = array<i64: 79>, scalar_prefetch = 0 : i64, scratch_operands = 0 : i64, tpu.core_type = #tpu.core_type<tc>, window_params = [{transform_indices = @transform_0, window_bounds = array<i64: 128, 128>}, {pipeline_mode = #tpu.pipeline_mode<synchronous>, transform_indices = @transform_1, window_bounds = array<i64: 128, 128>}, {pipeline_mode = #tpu.pipeline_mode<synchronous>, transform_indices = @transform_2, window_bounds = array<i64: 128, 8>}, {transform_indices = @transform_3, window_bounds = array<i64: 128, 128>}, {transform_indices = @transform_4, window_bounds = array<i64: 8, 128>}]} {
    %get3A = arith.constant 0 : index
    %get3A_0 = arith.constant 0 : index
    %get3A_1 = vector.load %arg1[%get3A, %get3A_0] : memref<128x128xf32, #tpu.memory_space<vmem>>, vector<128x128xf32>
    %get3A_2 = arith.constant 0 : index
    %get3A_3 = arith.constant 0 : index
    %get3A_4 = vector.load %arg2[%get3A_2, %get3A_3] : memref<128x128xf32, #tpu.memory_space<vmem>>, vector<128x128xf32>
    %dot_general3A = arith.constant dense<0.000000e+00> : vector<128x128xf32>
    %dot_general3A_5 = tpu.matmul %get3A_1, %get3A_4, %dot_general3A {dimension_numbers = #tpu.dot_dimension_numbers<[1], [0], [0], [1], [0, 0, 1, 1], [], []>, transpose_lhs_hint = false} : vector<128x128xf32>, vector<128x128xf32>, vector<128x128xf32> -> vector<128x128xf32>
    %swap3A = arith.constant 0 : index
    %swap3A_6 = arith.constant 0 : index
    %swap3A_7 = vector.load %arg4[%swap3A, %swap3A_6] : memref<128x128xf32, #tpu.memory_space<vmem>>, vector<128x128xf32>
    tpu.vector_store %arg4[%swap3A, %swap3A_6], %dot_general3A_5 {strides = array<i32>} : memref<128x128xf32, #tpu.memory_space<vmem>>, vector<128x128xf32>,
    %get3A_8 = arith.constant 0 : index
    %get3A_9 = arith.constant 0 : index
    %get3A_10 = vector.load %arg3[%get3A_8, %get3A_9] : memref<128x8xf32, #tpu.memory_space<vmem>>, vector<128x8xf32>
    %dot_general3A_11 = arith.constant dense<0.000000e+00> : vector<8x128xf32>
    %dot_general3A_12 = tpu.matmul %get3A_10, %dot_general3A_5, %dot_general3A_11 {dimension_numbers = #tpu.dot_dimension_numbers<[0], [1], [1], [0], [0, 1, 1, 0], [], []>, transpose_lhs_hint = false} : vector<128x8xf32>, vector<128x128xf32>, vector<8x128xf32> -> vector<8x128xf32>
    %swap3A_13 = arith.constant 0 : index
    %swap3A_14 = arith.constant 0 : index
    %swap3A_15 = vector.load %arg5[%swap3A_13, %swap3A_14] : memref<8x128xf32, #tpu.memory_space<vmem>>, vector<8x128xf32>
    tpu.vector_store %arg5[%swap3A_13, %swap3A_14], %dot_general3A_12 {strides = array<i32>} : memref<8x128xf32, #tpu.memory_space<vmem>>, vector<8x128xf32>,
    return
  }
  func.func @transform_0(%arg0: i32) -> (i32, i32) {
    %c0_i32 = arith.constant 0 : i32
    %c0_i32_0 = arith.constant 0 : i32
    return %arg0, %c0_i32 : i32, i32
  }
  func.func @transform_1(%arg0: i32) -> (i32, i32) {
    %c0_i32 = arith.constant 0 : i32
    %c0_i32_0 = arith.constant 0 : i32
    %c0_i32_1 = arith.constant 0 : i32
    return %c0_i32, %c0_i32_0 : i32, i32
  }
  func.func @transform_2(%arg0: i32) -> (i32, i32) {
    %c0_i32 = arith.constant 0 : i32
    %c0_i32_0 = arith.constant 0 : i32
    %c0_i32_1 = arith.constant 0 : i32
    return %c0_i32, %c0_i32_0 : i32, i32
  }
  func.func @transform_3(%arg0: i32) -> (i32, i32) {
    %c0_i32 = arith.constant 0 : i32
    %c0_i32_0 = arith.constant 0 : i32
    return %arg0, %c0_i32 : i32, i32
  }
  func.func @transform_4(%arg0: i32) -> (i32, i32) {
    %c0_i32 = arith.constant 0 : i32
    %c0_i32_0 = arith.constant 0 : i32
    return %c0_i32, %arg0 : i32, i32
  }
}

module attributes {stable_mosaic.version = 14 : i64} {
  func.func @_combine_kernel(%arg0: i32, %arg1: memref<2x72x128xf32, #tpu.memory_space<vmem>>, %arg2: memref<2x72x1xf32, #tpu.memory_space<vmem>>, %arg3: memref<72x128xf32, #tpu.memory_space<vmem>>) attributes {dimension_semantics = [#tpu.dimension_semantics<arbitrary>], iteration_bounds = array<i64: 139>, scalar_prefetch = 0 : i64, scratch_operands = 0 : i64, tpu.core_type = #tpu.core_type<tc>, window_params = [{transform_indices = @transform_0, window_bounds = array<i64: 2, 72, 128>}, {transform_indices = @transform_1, window_bounds = array<i64: 2, 72, 1>}, {transform_indices = @transform_2, window_bounds = array<i64: 72, 128>}]} {
    %get3A = arith.constant 0 : index
    %get3A_0 = arith.constant 0 : index
    %get3A_1 = arith.constant 0 : index
    %get3A_2 = vector.load %arg1[%get3A, %get3A_0, %get3A_1] : memref<2x72x128xf32, #tpu.memory_space<vmem>>, vector<1x72x128xf32>
    %get3A_3 = vector.shape_cast %get3A_2 : vector<1x72x128xf32> to vector<72x128xf32>
    %get3A_4 = arith.constant 1 : index
    %get3A_5 = arith.constant 0 : index
    %get3A_6 = arith.constant 0 : index
    %get3A_7 = vector.load %arg1[%get3A_4, %get3A_5, %get3A_6] : memref<2x72x128xf32, #tpu.memory_space<vmem>>, vector<1x72x128xf32>
    %get3A_8 = vector.shape_cast %get3A_7 : vector<1x72x128xf32> to vector<72x128xf32>
    %add3A = arith.addf %get3A_3, %get3A_8 : vector<72x128xf32>
    %get3A_9 = arith.constant 0 : index
    %get3A_10 = arith.constant 0 : index
    %get3A_11 = arith.constant 0 : index
    %get3A_12 = vector.load %arg2[%get3A_9, %get3A_10, %get3A_11] : memref<2x72x1xf32, #tpu.memory_space<vmem>>, vector<1x72x1xf32>
    %get3A_13 = vector.shape_cast %get3A_12 : vector<1x72x1xf32> to vector<72x1xf32>
    %get3A_14 = arith.constant 1 : index
    %get3A_15 = arith.constant 0 : index
    %get3A_16 = arith.constant 0 : index
    %get3A_17 = vector.load %arg2[%get3A_14, %get3A_15, %get3A_16] : memref<2x72x1xf32, #tpu.memory_space<vmem>>, vector<1x72x1xf32>
    %get3A_18 = vector.shape_cast %get3A_17 : vector<1x72x1xf32> to vector<72x1xf32>
    %add3A_19 = arith.addf %get3A_13, %get3A_18 : vector<72x1xf32>
    %div3A = vector.broadcast %add3A_19 : vector<72x1xf32> to vector<72x128xf32>
    %div3A_20 = arith.divf %add3A, %div3A : vector<72x128xf32>
    %swap3A = arith.constant 0 : index
    %swap3A_21 = arith.constant 0 : index
    %swap3A_22 = vector.load %arg3[%swap3A, %swap3A_21] : memref<72x128xf32, #tpu.memory_space<vmem>>, vector<72x128xf32>
    tpu.vector_store %arg3[%swap3A, %swap3A_21], %div3A_20 {strides = array<i32>} : memref<72x128xf32, #tpu.memory_space<vmem>>, vector<72x128xf32>,
    return
  }
  func.func @transform_0(%arg0: i32) -> (i32, i32, i32) {
    %c0_i32 = arith.constant 0 : i32
    %c0_i32_0 = arith.constant 0 : i32
    %c0_i32_1 = arith.constant 0 : i32
    return %c0_i32, %arg0, %c0_i32_0 : i32, i32, i32
  }
  func.func @transform_1(%arg0: i32) -> (i32, i32, i32) {
    %c0_i32 = arith.constant 0 : i32
    %c0_i32_0 = arith.constant 0 : i32
    %c0_i32_1 = arith.constant 0 : i32
    return %c0_i32, %arg0, %c0_i32_0 : i32, i32, i32
  }
  func.func @transform_2(%arg0: i32) -> (i32, i32) {
    %c0_i32 = arith.constant 0 : i32
    %c0_i32_0 = arith.constant 0 : i32
    return %arg0, %c0_i32 : i32, i32
  }
}

</mosaic_0001>

<sc_bundles>
// kernel: kernel.6.cloned.1.call-start
scs
__scs_entry_jumppad:
0x0: {  	(pc) =	sbr.rel $0x88, $3  }
0x1: {  	(tag) =	ssettag $0x0;
	lr =	simm.s32 $0x1  }
0x2: {  	[smem:$0x3F9D] =	sst lr;
	_ =	strace $0xD0000000  }
0x3: {  	_ = 	snop  }
0x4: {  	_ = 	snop  }
0x5: {  	_ = 	snop  }
0x6: {  	_ = 	snop  }
0x7: {  	_ = 	snop  }
__scs_overlays_trampoline_lowered:
0x8: {  	[smem:$0x3FAC] =	sst s0  }
0x9: {  	[smem:$0x3FAD] =	sst s1  }
0xa: {  	[smem:$0x3FAE] =	sst s2  }
0xb: {  	[smem:$0x3FAF] =	sst s3  }
0xc: {  	[smem:$0x3FB0] =	sst s4  }
0xd: {  	[smem:$0x3FB1] =	sst s5  }
0xe: {  	[smem:$0x3FB2] =	sst s6  }
0xf: {  	[smem:$0x3FB3] =	sst s7  }
0x10: {  	[smem:$0x3FB4] =	sst s8  }
0x11: {  	[smem:$0x3FB5] =	sst s9;
	s0 =	simm.s32 @!p0 $0x0  }
0x12: {  	s1 =	sld [smem:$0x3F9B];
	s0 =	simm.s32 @p0 $0x1  }
0x13: {  	[smem:$0x3FB6] =	sst s0;
	s0 =	simm.s32 @!p1 $0x0  }
0x14: {  	s2 =	sld [smem:$0x3F9A];
	s0 =	simm.s32 @p1 $0x1  }
0x15: {  	[smem:$0x3FB7] =	sst s0;
	s0 =	simm.s32 @!p2 $0x0  }
0x16: {  	s3 =	sld [smem:$0x3FDB];
	s0 =	simm.s32 @p2 $0x1  }
0x17: {  	s4 =	simm.s32 $0x1BF5;
	[smem:$0x3FB9] =	sst s0  }
0x18: {  	s0 =	sld [smem:$0x3F9C];
	_ =	swait.ge [sflag:s4], $0x0  }
0x19: {  	s7 =	sld [smem:$0x3F9D]  }
0x1a: {  	s8 =	sadd.s32 $0xFFFFE003, lr  }
0x1b: {  	s9 =	sadd.s32 $0xFFFFFEF7, lr;
	s5 =	simm.s32 $0xFFFFFFFF;
	p2 =	slt.u32 s8, $0xFFFFF086  }
0x1c: {  	p1 =	slt.u32 s9, $0xF7A;
	s5 =	simm.s32 @!p2 $0x0  }
0x1d: {  	s5 =	simm.s32 @p1 $0x1;
	p0 =	seq.s32 s7, s2  }
0x1e: {  	s7 =	smul.u32 @!p0 $0xF7A, s2;
	p2 =	seq.s32 @!p0 s5, $0x0  }
0x1f: {  	s9 =	smul.u32 $0xF7A, s1;
	s8 =	simm.s32 @!p0 $0x1BF5;
	p2 =	por !p2, p0  }
0x20: {  	[sflag:s8] =	ssyncset.s32 @!p0 $0xFFFFF086;
	s6 =	sadd.s32 @!p0 s3, s7;
	s7 =	simm.s32 @!p0 $0x108  }
0x21: {  	s3 =	sadd.s32 s3, s9;
	s6 =	sadd.s32 @!p0 $0x88, s6;
	s7 =	simm.s32 @p2 $0x1082  }
0x22: {  	[simem:s7], [sflag:s8] =	dma.local @!p0 [hbm:s6], $0xF7A  }
0x23: {  	s9 =	sor.u32 $0xD0000000, s2;
	s6 =	simm.s32 $0x108;
	_ =	swait.ge @!p0 [sflag:s8], $0x0  }
0x24: {  	s3 =	sadd.s32 $0x88, s3;
	s6 =	simm.s32 @!p1 $0x1082;
	[sflag:s4] =	ssyncset.s32 $0xFFFFF086  }
0x25: {  	[simem:s6], [sflag:s4] =	dma.local [hbm:s3], $0xF7A  }
0x26: {  	[smem:$0x3F9D] =	sst s1;
	(tag) =	ssettag s2;
	_ =	strace s9  }
0x27: {  	s1 =	sld [smem:$0x3FAD]  }
0x28: {  	s2 =	sld [smem:$0x3FAE]  }
0x29: {  	s4 =	sld [smem:$0x3FB0]  }
0x2a: {  	p0 =	seq.s32 s5, $0x0;
	s5 =	sld [smem:$0x3FB1]  }
0x2b: {  	s6 =	sld [smem:$0x3FB2]  }
0x2c: {  	s7 =	sld [smem:$0x3FB3]  }
0x2d: {  	s3 =	simm.s32 $0x108;
	s8 =	sld [smem:$0x3FB4]  }
0x2e: {  	s3 =	simm.s32 @!p0 $0x1082;
	s9 =	sld [smem:$0x3FB5]  }
0x2f: {  	lr =	sadd.s32 s0, s3;
	s0 =	sld [smem:$0x3FAC]  }
0x30: {  	s3 =	sld [smem:$0x3FAF]  }
0x31: {  	[smem:$0x3FB8] =	sst s10  }
0x32: {  	s10 =	sld [smem:$0x3FB6];
	_ =	sdelay $0x3  }
0x33: {  	p0 =	seq.s32 s10, $0x1;
	s10 =	sld [smem:$0x3FB8];
	_ =	sdelay $0x3  }
0x34: {  	[smem:$0x3FB8] =	sst s10  }
0x35: {  	s10 =	sld [smem:$0x3FB7];
	_ =	sdelay $0x3  }
0x36: {  	p1 =	seq.s32 s10, $0x1;
	s10 =	sld [smem:$0x3FB8];
	_ =	sdelay $0x3  }
0x37: {  	[smem:$0x3FB8] =	sst s10  }
0x38: {  	s10 =	sld [smem:$0x3FB9]  }
0x39: {  	_ = 	snop;
	(pc) =	sbr.ind lr, $3  }
0x3a: {  	_ = 	snop  }
0x3b: {  	_ = 	snop  }
0x3c: {  	p2 =	seq.s32 s10, $0x1;
	s10 =	sld [smem:$0x3FB8]  }
0x3d: {  	_ =	shalt  }
0x3e: {  	_ =	shalt  }
0x3f: {  	_ =	shalt  }
0x40: {  	_ =	shalt  }
0x41: {  	_ =	shalt  }
0x42: {  	_ =	shalt  }
0x43: {  	_ =	shalt  }
0x44: {  	_ =	shalt  }
0x45: {  	_ =	shalt  }
0x46: {  	_ =	shalt  }
0x47: {  	_ =	shalt  }
0x48: {  	_ =	shalt  }
0x49: {  	_ =	shalt  }
0x4a: {  	_ =	shalt  }
0x4b: {  	_ =	shalt  }
0x4c: {  	_ =	shalt  }
0x4d: {  	_ =	shalt  }
0x4e: {  	_ =	shalt  }
0x4f: {  	_ =	shalt  }
0x50: {  	_ =	shalt  }
0x51: {  	_ =	shalt  }
0x52: {  	_ =	shalt  }
0x53: {  	_ =	shalt  }
0x54: {  	_ =	shalt  }
0x55: {  	_ =	shalt  }
0x56: {  	_ =	shalt  }
0x57: {  	_ =	shalt  }
0x58: {  	_ =	shalt  }
0x59: {  	_ =	shalt  }
0x5a: {  	_ =	shalt  }
0x5b: {  	_ =	shalt  }
0x5c: {  	_ =	shalt  }
0x5d: {  	_ =	shalt  }
0x5e: {  	_ =	shalt  }
0x5f: {  	_ =	shalt  }
0x60: {  	_ =	shalt  }
0x61: {  	_ =	shalt  }
0x62: {  	_ =	shalt  }
0x63: {  	_ =	shalt  }
0x64: {  	_ =	shalt  }
0x65: {  	_ =	shalt  }
0x66: {  	_ =	shalt  }
0x67: {  	_ =	shalt  }
0x68: {  	_ =	shalt  }
0x69: {  	_ =	shalt  }
0x6a: {  	_ =	shalt  }
0x6b: {  	_ =	shalt  }
0x6c: {  	_ =	shalt  }
0x6d: {  	_ =	shalt  }
0x6e: {  	_ =	shalt  }
0x6f: {  	_ =	shalt  }
0x70: {  	_ =	shalt  }
0x71: {  	_ =	shalt  }
0x72: {  	_ =	shalt  }
0x73: {  	_ =	shalt  }
0x74: {  	_ =	shalt  }
0x75: {  	_ =	shalt  }
0x76: {  	_ =	shalt  }
0x77: {  	_ =	shalt  }
0x78: {  	_ =	shalt  }
0x79: {  	_ =	shalt  }
0x7a: {  	_ =	shalt  }
0x7b: {  	_ =	shalt  }
0x7c: {  	_ =	shalt  }
0x7d: {  	_ =	shalt  }
0x7e: {  	_ =	shalt  }
0x7f: {  	_ =	shalt  }
0x80: {  	_ =	shalt  }
0x81: {  	_ =	shalt  }
0x82: {  	_ =	shalt  }
0x83: {  	_ =	shalt  }
0x84: {  	_ =	shalt  }
0x85: {  	_ =	shalt  }
0x86: {  	_ =	shalt  }
0x87: {  	_ =	shalt  }
.Lfunc_end0:
.L_simem_size_0:
called_computation_lowered:
.L_overlay_start_0:
0x88: {  	s2 =	sld [smem:$0x3FD9]  }
0x89: {  	s3 =	sld [smem:$0x3FFE];
	_ =	sdelay $0x1  }
0x8a: {  	s1 =	srdreg.scid  }
0x8b: {  	s0 =	sand.u32 $0x1, s1  }
0x8c: {  	s17 =	sshll.u32 s0, $0xA;
	s2 =	sadd.s32 s3, s2  }
0x8d: {  	s2 =	sadd.s32 s2, s17  }
0x8e: {  	[smem:$0x3FC4] =	sst s2  }
0x8f: {  	_ = 	snop  }
0x90: {  	s2 =	sld [smem:$0x3FD0];
	(tm) =	ssettm $0x1  }
0x91: {  	s18 =	sld [smem:$0x3FFB];
	_ =	sdelay $0x3  }
0x92: {  	_ =	strace s18  }
0x93: {  	s3 =	sld [smem:$0x3FFC];
	_ =	sdelay $0x3  }
0x94: {  	_ =	strace s3  }
0x95: {  	s3 =	sld [smem:$0x3FFD];
	_ =	sdelay $0x3  }
0x96: {  	_ =	strace s3  }
0x97: {  	_ =	strace $0x8FFFFFFF  }
0x98: {  	s19 =	sld [smem:$0x3FDB];
	_ =	sdelay $0x1  }
0x99: {  	s4 =	simm.s32 $_scs_section_size  }
0x9a: {  	s5 =	simm.s32 $_size__tile_overlayer_lowered;
	s6 =	simm.s32 $_tile_overlayer_lowered  }
0x9b: {  	s22 =	simm.s32 $0x1BFF;
	s21 =	sshll.u32 s6, $0x1;
	s3 =	sadd.s32 s4, s19  }
0x9c: {  	s7 =	simm.s32 $0x0;
	s20 =	sshll.u32 s5, $0x1;
	s5 =	sadd.s32 s21, s3  }
0x9d: {  	[timem:s7], [sflag:s22] =	dma.local [hbm:s5], s20  }
0x9e: {  	_ =	swait.ge [sflag:s22], s20  }
0x9f: {  	s4 =	ssub.s32 $0x0, s20;
	[sflag:s22] =	ssyncset.done $0x0  }
0xa0: {  	[sflag:s22] =	ssyncadd.s32 s4;
	_ =	sdelay $0x1  }
0xa1: {  	s23 =	simm.s32 $0x1B8B  }
0xa2: {  	_ =	swait.ge [sflag:s23], $0x1  }
0xa3: {  	[sflag:s23] =	ssyncset.done $0x0  }
0xa4: {  	s25 =	simm.s32 $0x1B8E;
	s24 =	sld [smem:$0x3FFE];
	[sflag:s23] =	ssyncadd.s32 $0xFFFFFFFF  }
0xa5: {  	s26 =	simm.s32 $execute0_lowered;
	[smem:$0x3FD2] =	sst s25  }
0xa6: {  	s5 =	sshll.u32 s26, $0x1;
	_ =	strace $0x80000046;
	[dreg:$0x1] =	wrdreg $0xFFFFFFFF  }
0xa7: {  	s28 =	simm.s32 $_size_execute0_lowered;
	s3 =	sadd.s32 s3, s5;
	[dreg:$0x0] =	wrdreg $0x0  }
0xa8: {  	s5 =	sshll.u32 s28, $0x1;
	[dreg:$0x2] =	wrdreg s3  }
0xa9: {  	[dreg:$0x3] =	wrdreg s5  }
0xaa: {  	[dreg:$0x4] =	wrdreg $0xC0  }
0xab: {  	_ =	task [dreg:s7], $0x5FFFF  }
0xac: {  	[dreg:$0x1] =	wrdreg $0xFFFFFFFF  }
0xad: {  	[dreg:$0x0] =	wrdreg $0x60  }
0xae: {  	[dreg:$0x2] =	wrdreg s24  }
0xaf: {  	[dreg:$0x3] =	wrdreg s2  }
0xb0: {  	[dreg:$0x4] =	wrdreg $0xD6800  }
0xb1: {  	[dreg:$0x5] =	wrdreg $0x9  }
0xb2: {  	_ =	task.clear_ibuf [dreg:s7], $0x6FFFF;
	_ =	strace $0x90000046  }
0xb3: {  	s29 =	simm.s32 $0x9;
	_ =	strace $0x80000048  }
0xb4: {  	_ =	swait.ge [sflag:s29], $0x1  }
0xb5: {  	[sflag:s29] =	ssyncadd.s32 $0xFFFFFFFF  }
0xb6: {  	_ =	strace $0x90000048  }
0xb7: {  	_ =	sfence  }
0xb8: {  	s30 =	sld [smem:$0x0];
	_ =	sdelay $0x2  }
0xb9: {  	s31 =	sshll.u32 s1, $0xD;
	s1 =	sshrl.u32 s1, $0x2  }
0xba: {  	s3 =	sand.u32 $0x4000, s31;
	s1 =	sadd.s32 s1, s30  }
0xbb: {  	s0 =	sor.u32 s3, s0;
	s1 =	sshll.u32 s1, $0x11  }
0xbc: {  	s0 =	sor.u32 s1, s0  }
0xbd: {  	s0 =	sadd.s32 $0x8F2B, s0  }
0xbe: {  	[sflag:s0] =	ssyncadd.remote.s32 $0x1  }
0xbf: {  	_ =	sfence.sel $0xFFFF  }
0xc0: {  	[dreg:$0x0] =	wrdreg $0xFFFFFFFF;
	(pc) =	sbr.abs _section_cstart, $3  }
0xc1: {  	[dreg:$0x1] =	wrdreg $0xFFFFFFFF  }
0xc2: {  	_ =	task.clear_ibuf [dreg:s7], $0x2FFFF;
	_ =	strace $0x9FFFFFFF  }
0xc3: {  	(tm) =	ssettm $0x7FFFFFFF  }
tec
execute0_lowered:
.L_overlay_start_1:
0x0: {  	(tag) =	ssettag $0x1  }
0x1: {  	s6 =	rddreg [dreg:$0x0]  }
0x2: {  	s7 =	rddreg [dreg:$0x1]  }
0x3: {  	s1 =	rddreg [dreg:$0x2]  }
0x4: {  	s0 =	rddreg [dreg:$0x3];
	s3 =	simm.s32 $0x0  }
0x5: {  	s4 =	srdreg.scid;
	s2 =	stileid.u32;
	s14 =	simm.s32 $0x7C00  }
0x6: {  	s15 =	simm.s32 $0xD400;
	s16 =	simm.s32 $0x3;
	s17 =	simm.s32 $0x1  }
0x7: {  	s18 =	simm.s32 $0x80;
	s19 =	simm.s32 $0xA800;
	s20 =	simm.s32 $0x2  }
0x8: {  	s21 =	simm.s32 $0x0;
	[smem:$0x7FF] =	sst s3;
	s8 =	sand.u32 $0x1, s4  }
0x9: {  	s31 =	sshll.u32 s2, $0x1;
	s5 =	smul.u32 $0x278, s2;
	s4 =	sadd.s32 $0x27E00, s6  }
0xa: {  	_ =	strace $0x80000047;
	s9 =	sor.u32 s8, s31;
	s10 =	smul.u32 $0x2718, s8  }
0xb: {  	s8 =	ssub.s32 $0x2, s8;
	s9 =	smul.u32 $0x580, s9;
	s11 =	smin.u32 s5, $0x24A0  }
0xc: {  	s5 =	sadd.s32 $0x27800, s6;
	s13 =	sshrl.u32 s8, $0x1;
	s10 =	sadd.s32 s10, s11  }
0xd: {  	s13 =	ssub.s32 s8, s13;
	s8 =	sadd.s32 s11, s1;
	s12 =	sadd.s32 s9, s6  }
0xe: {  	s10 =	sshrl.u32 s10, $0x3;
	s11 =	smax.u32 s13, $0x1;
	s13 =	simm.s32 $0x5000  }
0xf: {  	s10 =	sadd.s32 s10, s6;
	s6 =	sadd.s32 s7, s9;
	s7 =	sadd.s32 $0x28400, s12  }
0x10: {  	v0 =	vimm.f32 $0.0e+00;
	s9 =	sadd.s32 $0x33E00, s12;
	s12 =	simm.s32 $0x2800;
	s10 =	sadd.s32 $0x33400, s10  }
.LBB2_1:
0x11: {  	[tilespmem:s3], [sflag:$0x1] =	stream.linear.gather [hbm4b:s4+s3], $0x2780, $0x38;
	[tilespmem:$0xD8F8] =	vst v63  }
0x12: {  	_ = 	snop  }
0x13: {  	[tilespmem:s12], [sflag:$0x1] =	stream.linear.gather [hbm4b:s5+s3], $0x2780, $0x38;
	[tilespmem:$0xD8F8] =	vst v63  }
0x14: {  	_ = 	snop  }
0x15: {  	[tilespmem:s13], [sflag:$0x1] =	stream.linear.gather [hbm4b:s6+s3], $0x2880, $0x38;
	[tilespmem:$0xD8F8] =	vst v63  }
0x16: {  	_ = 	snop  }
0x17: {  	[tilespmem:s14], [sflag:$0x1] =	stream.linear.gather [hbm4b:s7+s3], $0x2880, $0x38;
	[tilespmem:$0xD8F8] =	vst v63  }
0x18: {  	[tilespmem:$0xD400] =	vst v0  }
0x19: {  	[tilespmem:$0xD410] =	vst v0  }
0x1a: {  	[tilespmem:$0xD420] =	vst v0  }
0x1b: {  	[tilespmem:$0xD430] =	vst v0  }
0x1c: {  	[tilespmem:$0xD440] =	vst v0  }
0x1d: {  	[tilespmem:$0xD450] =	vst v0  }
0x1e: {  	[tilespmem:$0xD460] =	vst v0  }
0x1f: {  	[tilespmem:$0xD470] =	vst v0  }
0x20: {  	[tilespmem:$0xD480] =	vst v0  }
0x21: {  	[tilespmem:$0xD490] =	vst v0  }
0x22: {  	[tilespmem:$0xD4A0] =	vst v0  }
0x23: {  	[tilespmem:$0xD4B0] =	vst v0  }
0x24: {  	[tilespmem:$0xD4C0] =	vst v0  }
0x25: {  	[tilespmem:$0xD4D0] =	vst v0  }
0x26: {  	[tilespmem:$0xD4E0] =	vst v0  }
0x27: {  	[tilespmem:$0xD4F0] =	vst v0  }
0x28: {  	[tilespmem:$0xD500] =	vst v0  }
0x29: {  	[tilespmem:$0xD510] =	vst v0  }
0x2a: {  	[tilespmem:$0xD520] =	vst v0  }
0x2b: {  	[tilespmem:$0xD530] =	vst v0  }
0x2c: {  	[tilespmem:$0xD540] =	vst v0  }
0x2d: {  	[tilespmem:$0xD550] =	vst v0  }
0x2e: {  	[tilespmem:$0xD560] =	vst v0  }
0x2f: {  	[tilespmem:$0xD570] =	vst v0  }
0x30: {  	[tilespmem:$0xD580] =	vst v0  }
0x31: {  	[tilespmem:$0xD590] =	vst v0  }
0x32: {  	[tilespmem:$0xD5A0] =	vst v0  }
0x33: {  	[tilespmem:$0xD5B0] =	vst v0  }
0x34: {  	[tilespmem:$0xD5C0] =	vst v0  }
0x35: {  	[tilespmem:$0xD5D0] =	vst v0  }
0x36: {  	[tilespmem:$0xD5E0] =	vst v0  }
0x37: {  	[tilespmem:$0xD5F0] =	vst v0  }
0x38: {  	[tilespmem:$0xD600] =	vst v0  }
0x39: {  	[tilespmem:$0xD610] =	vst v0  }
0x3a: {  	[tilespmem:$0xD620] =	vst v0  }
0x3b: {  	[tilespmem:$0xD630] =	vst v0  }
0x3c: {  	[tilespmem:$0xD640] =	vst v0  }
0x3d: {  	[tilespmem:$0xD650] =	vst v0  }
0x3e: {  	[tilespmem:$0xD660] =	vst v0  }
0x3f: {  	[spmem:s8] =	stream.linear.scatter [tilespmem:s15], [sflag:$0x3], $0x278, $0x38;
	[tilespmem:$0xD8F8] =	vst v63  }
0x40: {  	_ =	swait.ge [sflag:s16], $0x278  }
0x41: {  	[sflag:s16] =	ssyncset.done $0x0  }
0x42: {  	[sflag:s16] =	ssyncadd.s32 $0xFFFFFD88  }
0x43: {  	_ =	swait.ge [sflag:s17], $0x2780  }
0x44: {  	[sflag:s17] =	ssyncset.done $0x0  }
0x45: {  	[sflag:s17] =	ssyncadd.s32 $0xFFFFD880  }
0x46: {  	_ =	swait.ge [sflag:s17], $0x2780  }
0x47: {  	[sflag:s17] =	ssyncset.done $0x0  }
0x48: {  	[sflag:s17] =	ssyncadd.s32 $0xFFFFD880  }
0x49: {  	_ =	swait.ge [sflag:s17], $0x2880  }
0x4a: {  	[sflag:s17] =	ssyncset.done $0x0  }
0x4b: {  	[sflag:s17] =	ssyncadd.s32 $0xFFFFD780  }
0x4c: {  	_ =	swait.ge [sflag:s17], $0x2880  }
0x4d: {  	[sflag:s17] =	ssyncset.done $0x0  }
0x4e: {  	[sflag:s17] =	ssyncadd.s32 $0xFFFFD780  }
0x4f: {  	s22 =	simm.s32 $0x0;
	[bflag:$0x0] =	sbarrier.arrive $0xFFFF  }
0x50: {  	v1 =	vld [tilespmem:s22+$0x5000]  }
0x51: {  	v2 =	vld [tilespmem:s22+$0x7C00];
	_ =	sdelay $0x6  }
0x52: {  	v1 =	vld.idx.msk [tilespmem:v1+s3+$0x0], $0xffff  }
0x53: {  	v2 =	vld.idx.msk [tilespmem:v2+s12+$0x0], $0xffff;
	_ =	sdelay $0x4  }
0x54: {  	v1 =	vadd.f32 v2, v1;
	_ =	sdelay $0x1  }
0x55: {  	v2 =	vmul.f32 $2.000000030e-01, v1  }
0x56: {  	vm0 =	vge.f32 v1, $0.0e+00  }
0x57: {  	v1 =	vsel vm0, v1, v2  }
0x58: {  	v1 =	vmul.f32 $1.442695020e+00, v1;
	_ =	sdelay $0x1  }
0x59: {  	(erf) = vpow2.f32 v1;
	_ =	sdelay $0x2  }
0x5a: {  	v1 =	vld [tilespmem:s22+$0x5010]  }
0x5b: {  	v2 =	vld [tilespmem:s22+$0x7C10];
	_ =	sdelay $0x4  }
0x5c: {  	v3 =	vpop (erf)  }
0x5d: {  	[tilespmem:s22+$0xA800] =	vst v3  }
0x5e: {  	v1 =	vld.idx.msk [tilespmem:v1+s3+$0x0], $0xffff  }
0x5f: {  	v2 =	vld.idx.msk [tilespmem:v2+s12+$0x0], $0xffff;
	_ =	sdelay $0x4  }
0x60: {  	v1 =	vadd.f32 v2, v1;
	_ =	sdelay $0x1  }
0x61: {  	v2 =	vmul.f32 $2.000000030e-01, v1  }
0x62: {  	vm9 =	vge.f32 v1, $0.0e+00  }
0x63: {  	v1 =	vsel vm9, v1, v2  }
0x64: {  	v1 =	vmul.f32 $1.442695020e+00, v1;
	_ =	sdelay $0x1  }
0x65: {  	(erf) = vpow2.f32 v1;
	_ =	sdelay $0x2  }
0x66: {  	v1 =	vld [tilespmem:s22+$0x5020]  }
0x67: {  	v2 =	vld [tilespmem:s22+$0x7C20];
	_ =	sdelay $0x4  }
0x68: {  	v3 =	vpop (erf)  }
0x69: {  	[tilespmem:s22+$0xA810] =	vst v3  }
0x6a: {  	v1 =	vld.idx.msk [tilespmem:v1+s3+$0x0], $0xffff  }
0x6b: {  	v2 =	vld.idx.msk [tilespmem:v2+s12+$0x0], $0xffff;
	_ =	sdelay $0x4  }
0x6c: {  	v1 =	vadd.f32 v2, v1;
	_ =	sdelay $0x1  }
0x6d: {  	v2 =	vmul.f32 $2.000000030e-01, v1  }
0x6e: {  	vm10 =	vge.f32 v1, $0.0e+00  }
0x6f: {  	v1 =	vsel vm10, v1, v2  }
0x70: {  	v1 =	vmul.f32 $1.442695020e+00, v1;
	_ =	sdelay $0x1  }
0x71: {  	(erf) = vpow2.f32 v1;
	_ =	sdelay $0x2  }
0x72: {  	v1 =	vld [tilespmem:s22+$0x5030]  }
0x73: {  	v2 =	vld [tilespmem:s22+$0x7C30];
	_ =	sdelay $0x4  }
0x74: {  	v3 =	vpop (erf)  }
0x75: {  	[tilespmem:s22+$0xA820] =	vst v3  }
0x76: {  	v1 =	vld.idx.msk [tilespmem:v1+s3+$0x0], $0xffff  }
0x77: {  	v2 =	vld.idx.msk [tilespmem:v2+s12+$0x0], $0xffff;
	_ =	sdelay $0x4  }
0x78: {  	v1 =	vadd.f32 v2, v1;
	_ =	sdelay $0x1  }
0x79: {  	v2 =	vmul.f32 $2.000000030e-01, v1  }
0x7a: {  	vm11 =	vge.f32 v1, $0.0e+00  }
0x7b: {  	v1 =	vsel vm11, v1, v2  }
0x7c: {  	v1 =	vmul.f32 $1.442695020e+00, v1;
	_ =	sdelay $0x1  }
0x7d: {  	(erf) = vpow2.f32 v1;
	_ =	sdelay $0x2  }
0x7e: {  	v1 =	vld [tilespmem:s22+$0x5040]  }
0x7f: {  	v2 =	vld [tilespmem:s22+$0x7C40];
	_ =	sdelay $0x4  }
0x80: {  	v3 =	vpop (erf)  }
0x81: {  	[tilespmem:s22+$0xA830] =	vst v3  }
0x82: {  	v1 =	vld.idx.msk [tilespmem:v1+s3+$0x0], $0xffff  }
0x83: {  	v2 =	vld.idx.msk [tilespmem:v2+s12+$0x0], $0xffff;
	_ =	sdelay $0x4  }
0x84: {  	v1 =	vadd.f32 v2, v1;
	_ =	sdelay $0x1  }
0x85: {  	v2 =	vmul.f32 $2.000000030e-01, v1  }
0x86: {  	vm12 =	vge.f32 v1, $0.0e+00  }
0x87: {  	v1 =	vsel vm12, v1, v2  }
0x88: {  	v1 =	vmul.f32 $1.442695020e+00, v1;
	_ =	sdelay $0x1  }
0x89: {  	(erf) = vpow2.f32 v1;
	_ =	sdelay $0x2  }
0x8a: {  	v1 =	vld [tilespmem:s22+$0x5050]  }
0x8b: {  	v2 =	vld [tilespmem:s22+$0x7C50];
	_ =	sdelay $0x4  }
0x8c: {  	v3 =	vpop (erf)  }
0x8d: {  	[tilespmem:s22+$0xA840] =	vst v3  }
0x8e: {  	v1 =	vld.idx.msk [tilespmem:v1+s3+$0x0], $0xffff  }
0x8f: {  	v2 =	vld.idx.msk [tilespmem:v2+s12+$0x0], $0xffff;
	_ =	sdelay $0x4  }
0x90: {  	v1 =	vadd.f32 v2, v1;
	_ =	sdelay $0x1  }
0x91: {  	v2 =	vmul.f32 $2.000000030e-01, v1  }
0x92: {  	vm13 =	vge.f32 v1, $0.0e+00  }
0x93: {  	v1 =	vsel vm13, v1, v2  }
0x94: {  	v1 =	vmul.f32 $1.442695020e+00, v1;
	_ =	sdelay $0x1  }
0x95: {  	(erf) = vpow2.f32 v1;
	_ =	sdelay $0x2  }
0x96: {  	v1 =	vld [tilespmem:s22+$0x5060]  }
0x97: {  	v2 =	vld [tilespmem:s22+$0x7C60];
	_ =	sdelay $0x4  }
0x98: {  	v3 =	vpop (erf)  }
0x99: {  	[tilespmem:s22+$0xA850] =	vst v3  }
0x9a: {  	v1 =	vld.idx.msk [tilespmem:v1+s3+$0x0], $0xffff  }
0x9b: {  	v2 =	vld.idx.msk [tilespmem:v2+s12+$0x0], $0xffff;
	_ =	sdelay $0x4  }
0x9c: {  	v1 =	vadd.f32 v2, v1;
	_ =	sdelay $0x1  }
0x9d: {  	v2 =	vmul.f32 $2.000000030e-01, v1  }
0x9e: {  	vm14 =	vge.f32 v1, $0.0e+00  }
0x9f: {  	v1 =	vsel vm14, v1, v2  }
0xa0: {  	v1 =	vmul.f32 $1.442695020e+00, v1;
	_ =	sdelay $0x1  }
0xa1: {  	(erf) = vpow2.f32 v1;
	_ =	sdelay $0x2  }
0xa2: {  	v1 =	vld [tilespmem:s22+$0x5070]  }
0xa3: {  	v2 =	vld [tilespmem:s22+$0x7C70];
	_ =	sdelay $0x4  }
0xa4: {  	v3 =	vpop (erf)  }
0xa5: {  	[tilespmem:s22+$0xA860] =	vst v3  }
0xa6: {  	v1 =	vld.idx.msk [tilespmem:v1+s3+$0x0], $0xffff  }
0xa7: {  	v2 =	vld.idx.msk [tilespmem:v2+s12+$0x0], $0xffff;
	_ =	sdelay $0x4  }
0xa8: {  	v1 =	vadd.f32 v2, v1;
	_ =	sdelay $0x1  }
0xa9: {  	v2 =	vmul.f32 $2.000000030e-01, v1  }
0xaa: {  	vm15 =	vge.f32 v1, $0.0e+00  }
0xab: {  	v1 =	vsel vm15, v1, v2  }
0xac: {  	v1 =	vmul.f32 $1.442695020e+00, v1;
	_ =	sdelay $0x1  }
0xad: {  	(erf) = vpow2.f32 v1;
	_ =	sdelay $0x1  }
0xae: {  	s23 =	simm.s32 $0x200;
	s24 =	simm.s32 $0x5000;
	s25 =	simm.s32 $0xA800  }
.LBB2_2:
0xaf: {  	p0 =	sne.s32 s23, $0xA000;
	s26 =	smov.u32 s23;
	s23 =	sadd.s32 $0x200, s23  }
0xb0: {  	_ =	sdelay $0x4  }
0xb1: {  	v1 =	vpop (erf)  }
0xb2: {  	[tilespmem:s22+$0xA870] =	vst v1;
	s22 =	sshra.s32 s26, $0x2  }
0xb3: {  	[spmem:s1] =	stream.indirect.scatter.add.f32 [tilespmem:s25], [sflag:$0x2], $0x1, s24, s18, $0xb8;
	[tilespmem:$0xD8F8] =	vst v63  }
0xb4: {  	v1 =	vld [tilespmem:s22+$0x5000]  }
0xb5: {  	v2 =	vld [tilespmem:s22+$0x7C00];
	_ =	sdelay $0x6  }
0xb6: {  	v1 =	vld.idx.msk [tilespmem:v1+s3+$0x0], $0xffff  }
0xb7: {  	v2 =	vld.idx.msk [tilespmem:v2+s12+$0x0], $0xffff;
	_ =	sdelay $0x5  }
0xb8: {  	v1 =	vadd.f32 v2, v1;
	_ =	sdelay $0x1  }
0xb9: {  	vm0 =	vge.f32 v1, $0.0e+00;
	v2 =	vmul.f32 $2.000000030e-01, v1;
	_ =	sdelay $0x1  }
0xba: {  	v1 =	vsel vm0, v1, v2  }
0xbb: {  	v1 =	vmul.f32 $1.442695020e+00, v1;
	_ =	sdelay $0x1  }
0xbc: {  	(erf) = vpow2.f32 v1;
	_ =	sdelay $0x1  }
0xbd: {  	v1 =	vld [tilespmem:s22+$0x7C10]  }
0xbe: {  	v2 =	vld [tilespmem:s22+$0x5010];
	_ =	sdelay $0x5  }
0xbf: {  	v3 =	vpop (erf)  }
0xc0: {  	[tilespmem:s22+$0xA800] =	vst v3  }
0xc1: {  	v2 =	vld.idx.msk [tilespmem:v2+s3+$0x0], $0xffff  }
0xc2: {  	v1 =	vld.idx.msk [tilespmem:v1+s12+$0x0], $0xffff;
	_ =	sdelay $0x5  }
0xc3: {  	v1 =	vadd.f32 v1, v2;
	_ =	sdelay $0x1  }
0xc4: {  	vm0 =	vge.f32 v1, $0.0e+00;
	v2 =	vmul.f32 $2.000000030e-01, v1;
	_ =	sdelay $0x1  }
0xc5: {  	v1 =	vsel vm0, v1, v2  }
0xc6: {  	v1 =	vmul.f32 $1.442695020e+00, v1;
	_ =	sdelay $0x1  }
0xc7: {  	(erf) = vpow2.f32 v1;
	_ =	sdelay $0x1  }
0xc8: {  	v1 =	vld [tilespmem:s22+$0x7C20]  }
0xc9: {  	v2 =	vld [tilespmem:s22+$0x5020];
	_ =	sdelay $0x5  }
0xca: {  	v3 =	vpop (erf)  }
0xcb: {  	[tilespmem:s22+$0xA810] =	vst v3  }
0xcc: {  	v2 =	vld.idx.msk [tilespmem:v2+s3+$0x0], $0xffff  }
0xcd: {  	v1 =	vld.idx.msk [tilespmem:v1+s12+$0x0], $0xffff;
	_ =	sdelay $0x5  }
0xce: {  	v1 =	vadd.f32 v1, v2;
	_ =	sdelay $0x1  }
0xcf: {  	vm0 =	vge.f32 v1, $0.0e+00;
	v2 =	vmul.f32 $2.000000030e-01, v1;
	_ =	sdelay $0x1  }
0xd0: {  	v1 =	vsel vm0, v1, v2  }
0xd1: {  	v1 =	vmul.f32 $1.442695020e+00, v1;
	_ =	sdelay $0x1  }
0xd2: {  	(erf) = vpow2.f32 v1;
	_ =	sdelay $0x1  }
0xd3: {  	v1 =	vld [tilespmem:s22+$0x7C30]  }
0xd4: {  	v2 =	vld [tilespmem:s22+$0x5030];
	_ =	sdelay $0x5  }
0xd5: {  	v3 =	vpop (erf)  }
0xd6: {  	[tilespmem:s22+$0xA820] =	vst v3  }
0xd7: {  	v2 =	vld.idx.msk [tilespmem:v2+s3+$0x0], $0xffff  }
0xd8: {  	v1 =	vld.idx.msk [tilespmem:v1+s12+$0x0], $0xffff;
	_ =	sdelay $0x5  }
0xd9: {  	v1 =	vadd.f32 v1, v2;
	_ =	sdelay $0x1  }
0xda: {  	vm0 =	vge.f32 v1, $0.0e+00;
	v2 =	vmul.f32 $2.000000030e-01, v1;
	_ =	sdelay $0x1  }
0xdb: {  	v1 =	vsel vm0, v1, v2  }
0xdc: {  	v1 =	vmul.f32 $1.442695020e+00, v1;
	_ =	sdelay $0x1  }
0xdd: {  	(erf) = vpow2.f32 v1;
	_ =	sdelay $0x1  }
0xde: {  	v1 =	vld [tilespmem:s22+$0x7C40]  }
0xdf: {  	v2 =	vld [tilespmem:s22+$0x5040];
	_ =	sdelay $0x5  }
0xe0: {  	v3 =	vpop (erf)  }
0xe1: {  	[tilespmem:s22+$0xA830] =	vst v3  }
0xe2: {  	v2 =	vld.idx.msk [tilespmem:v2+s3+$0x0], $0xffff  }
0xe3: {  	v1 =	vld.idx.msk [tilespmem:v1+s12+$0x0], $0xffff;
	_ =	sdelay $0x5  }
0xe4: {  	v1 =	vadd.f32 v1, v2;
	_ =	sdelay $0x1  }
0xe5: {  	vm0 =	vge.f32 v1, $0.0e+00;
	v2 =	vmul.f32 $2.000000030e-01, v1;
	_ =	sdelay $0x1  }
0xe6: {  	v1 =	vsel vm0, v1, v2  }
0xe7: {  	v1 =	vmul.f32 $1.442695020e+00, v1;
	_ =	sdelay $0x1  }
0xe8: {  	(erf) = vpow2.f32 v1;
	_ =	sdelay $0x1  }
0xe9: {  	v1 =	vld [tilespmem:s22+$0x7C50]  }
0xea: {  	v2 =	vld [tilespmem:s22+$0x5050];
	_ =	sdelay $0x5  }
0xeb: {  	v3 =	vpop (erf)  }
0xec: {  	[tilespmem:s22+$0xA840] =	vst v3  }
0xed: {  	v2 =	vld.idx.msk [tilespmem:v2+s3+$0x0], $0xffff  }
0xee: {  	v1 =	vld.idx.msk [tilespmem:v1+s12+$0x0], $0xffff;
	_ =	sdelay $0x5  }
0xef: {  	v1 =	vadd.f32 v1, v2;
	_ =	sdelay $0x1  }
0xf0: {  	vm0 =	vge.f32 v1, $0.0e+00;
	v2 =	vmul.f32 $2.000000030e-01, v1;
	_ =	sdelay $0x1  }
0xf1: {  	v1 =	vsel vm0, v1, v2  }
0xf2: {  	v1 =	vmul.f32 $1.442695020e+00, v1;
	_ =	sdelay $0x1  }
0xf3: {  	(erf) = vpow2.f32 v1;
	_ =	sdelay $0x1  }
0xf4: {  	v1 =	vld [tilespmem:s22+$0x7C60]  }
0xf5: {  	v2 =	vld [tilespmem:s22+$0x5060];
	_ =	sdelay $0x5  }
0xf6: {  	v3 =	vpop (erf)  }
0xf7: {  	[tilespmem:s22+$0xA850] =	vst v3  }
0xf8: {  	v2 =	vld.idx.msk [tilespmem:v2+s3+$0x0], $0xffff  }
0xf9: {  	v1 =	vld.idx.msk [tilespmem:v1+s12+$0x0], $0xffff;
	_ =	sdelay $0x5  }
0xfa: {  	v1 =	vadd.f32 v1, v2;
	_ =	sdelay $0x1  }
0xfb: {  	vm0 =	vge.f32 v1, $0.0e+00;
	v2 =	vmul.f32 $2.000000030e-01, v1;
	_ =	sdelay $0x1  }
0xfc: {  	v1 =	vsel vm0, v1, v2  }
0xfd: {  	v1 =	vmul.f32 $1.442695020e+00, v1;
	_ =	sdelay $0x1  }
0xfe: {  	(erf) = vpow2.f32 v1;
	_ =	sdelay $0x1  }
0xff: {  	v1 =	vld [tilespmem:s22+$0x7C70]  }
0x100: {  	v2 =	vld [tilespmem:s22+$0x5070];
	_ =	sdelay $0x5  }
0x101: {  	v3 =	vpop (erf)  }
0x102: {  	[tilespmem:s22+$0xA860] =	vst v3  }
0x103: {  	v2 =	vld.idx.msk [tilespmem:v2+s3+$0x0], $0xffff  }
0x104: {  	v1 =	vld.idx.msk [tilespmem:v1+s12+$0x0], $0xffff;
	_ =	sdelay $0x5  }
0x105: {  	v1 =	vadd.f32 v1, v2;
	_ =	sdelay $0x1  }
0x106: {  	vm0 =	vge.f32 v1, $0.0e+00;
	v2 =	vmul.f32 $2.000000030e-01, v1;
	_ =	sdelay $0x1  }
0x107: {  	v1 =	vsel vm0, v1, v2  }
.Ltmp0:
0x108: {  	v1 =	vmul.f32 $1.442695020e+00, v1;
	(pc) =	sbr.rel @p0 .LBB2_2-.Ltmp0, $3  }
0x109: {  	_ = 	snop  }
0x10a: {  	(erf) = vpow2.f32 v1;
	_ =	sdelay $0x1  }
0x10b: {  	s24 =	sadd.s32 $0x5000, s22;
	s25 =	sadd.s32 $0xA800, s22  }
0x10c: {  	_ =	sdelay $0x5  }
0x10d: {  	v1 =	vpop (erf)  }
0x10e: {  	[tilespmem:s22+$0xA870] =	vst v1  }
0x10f: {  	[spmem:s1] =	stream.indirect.scatter.add.f32 [tilespmem:s25], [sflag:$0x2], $0x1, s24, s18, $0xb8;
	[tilespmem:$0xD8F8] =	vst v63  }
0x110: {  	_ = 	snop  }
0x111: {  	[hbm4b:s9+s3] =	stream.linear.scatter [tilespmem:s19], [sflag:$0x3], $0x2880, $0x38;
	[tilespmem:$0xD8F8] =	vst v63  }
0x112: {  	_ =	swait.ge [sflag:s16], $0x2880  }
0x113: {  	[sflag:s16] =	ssyncset.done $0x0  }
0x114: {  	[sflag:s16] =	ssyncadd.s32 $0xFFFFD780  }
0x115: {  	_ =	swait.ge [sflag:s20], $0x80  }
0x116: {  	s22 =	simm.s32 $0x50;
	[sflag:s20] =	ssyncset.done $0x0  }
.LBB2_4:
0x117: {  	p0 =	sne.s32 s22, $0x1;
	s22 =	sadd.s32 $0xFFFFFFFF, s22;
	[sflag:s20] =	ssyncadd.s32 $0xFFFFFF80  }
.Ltmp1:
0x118: {  	(pc) =	sbr.rel @p0 .LBB2_4-.Ltmp1, $3  }
0x119: {  	_ =	sdelay $0x1  }
0x11a: {  	_ =	swait.ge [sflag:s20], $0x80  }
0x11b: {  	[sflag:s20] =	ssyncset.done $0x0  }
0x11c: {  	[sflag:s20] =	ssyncadd.s32 $0xFFFFFF80  }
0x11d: {  	[bflag:$0x0] =	sbarrier.arrive $0xFFFF  }
0x11e: {  	[tilespmem:s15], [sflag:$0x3] =	stream.linear.gather [spmem:s8], $0x278, $0x38;
	[tilespmem:$0xD8F8] =	vst v63  }
0x11f: {  	s21 =	sadd.s32 $0x1, s21;
	_ =	swait.ge [sflag:s16], $0x278  }
0x120: {  	p0 =	sne.s32 s21, s11;
	[sflag:s16] =	ssyncset.done $0x0  }
.Ltmp2:
0x121: {  	[sflag:s16] =	ssyncadd.s32 $0xFFFFFD88;
	(pc) =	sbr.rel @p0 .LBB2_1-.Ltmp2, $4  }
0x122: {  	[hbm4b:s10+s3] =	stream.linear.scatter [tilespmem:s15], [sflag:$0x3], $0x278, $0x38;
	[tilespmem:$0xD8F8] =	vst v63  }
0x123: {  	_ =	swait.ge [sflag:s16], $0x278  }
0x124: {  	[sflag:s16] =	ssyncset.done $0x0  }
0x125: {  	[sflag:s16] =	ssyncadd.s32 $0xFFFFFD88  }
0x126: {  	_ =	sfence.sel $0x180000  }
0x127: {  	[bflag:$0x0] =	sbarrier.arrive $0xFFFF  }
0x128: {  	p0 =	sne.s32 s2, $0x0;
	_ =	strace $0x90000047  }
0x129: {  	s0 =	sadd.s32 @!p0 $0x100000, s0;
	[bflag:$0x2] =	sbarrier.arrive $0xFFFF  }
0x12a: {  	[sflag:s0] =	ssyncadd.tile.s32 @!p0 $0x1;
	_ =	shalt  }
.Lfunc_end2:
_tile_overlayer_lowered:
.L_overlay_start_2:
0x12b: {  	(tag) =	ssettag $0x2  }
0x12c: {  	s0 =	rddreg [dreg:$0x0];
	s2 =	stileid.u32  }
0x12d: {  	s1 =	rddreg [dreg:$0x1];
	p0 =	sne.s32 s2, $0x0  }
0x12e: {  	s3 =	rddreg [dreg:$0x2];
	[bflag:$0x3] =	sbarrier.arrive $0xFFFF;
	s2 =	simm.s32 @!p0 $0x1C03  }
0x12f: {  	[timem:s3], [sflag:s2] =	dma.local @!p0 [hbm:s0], s1  }
0x130: {  	s0 =	simm.s32 @!p0 $0x3  }
0x131: {  	_ =	swait.ge @!p0 [sflag:s0], s1  }
0x132: {  	s1 =	ssub.s32 @!p0 $0x0, s1;
	[sflag:s0] =	ssyncset.done @!p0 $0x0  }
0x133: {  	[sflag:s0] =	ssyncadd.s32 @!p0 s1  }
0x134: {  	[bflag:$0x3] =	sbarrier.arrive $0xFFFF  }
0x135: {  	_ =	shalt  }

// kernel: kernel.9.cloned.1.call-start
scs
__scs_entry_jumppad:
0x0: {  	(pc) =	sbr.rel $0x88, $3  }
0x1: {  	(tag) =	ssettag $0x0;
	lr =	simm.s32 $0x1  }
0x2: {  	[smem:$0x3F9D] =	sst lr;
	_ =	strace $0xD0000000  }
0x3: {  	_ = 	snop  }
0x4: {  	_ = 	snop  }
0x5: {  	_ = 	snop  }
0x6: {  	_ = 	snop  }
0x7: {  	_ = 	snop  }
__scs_overlays_trampoline_lowered:
0x8: {  	[smem:$0x3FAC] =	sst s0  }
0x9: {  	[smem:$0x3FAD] =	sst s1  }
0xa: {  	[smem:$0x3FAE] =	sst s2  }
0xb: {  	[smem:$0x3FAF] =	sst s3  }
0xc: {  	[smem:$0x3FB0] =	sst s4  }
0xd: {  	[smem:$0x3FB1] =	sst s5  }
0xe: {  	[smem:$0x3FB2] =	sst s6  }
0xf: {  	[smem:$0x3FB3] =	sst s7  }
0x10: {  	[smem:$0x3FB4] =	sst s8  }
0x11: {  	[smem:$0x3FB5] =	sst s9;
	s0 =	simm.s32 @!p0 $0x0  }
0x12: {  	s1 =	sld [smem:$0x3F9B];
	s0 =	simm.s32 @p0 $0x1  }
0x13: {  	[smem:$0x3FB6] =	sst s0;
	s0 =	simm.s32 @!p1 $0x0  }
0x14: {  	s2 =	sld [smem:$0x3F9A];
	s0 =	simm.s32 @p1 $0x1  }
0x15: {  	[smem:$0x3FB7] =	sst s0;
	s0 =	simm.s32 @!p2 $0x0  }
0x16: {  	s3 =	sld [smem:$0x3FDB];
	s0 =	simm.s32 @p2 $0x1  }
0x17: {  	s4 =	simm.s32 $0x1BF5;
	[smem:$0x3FB9] =	sst s0  }
0x18: {  	s0 =	sld [smem:$0x3F9C];
	_ =	swait.ge [sflag:s4], $0x0  }
0x19: {  	s7 =	sld [smem:$0x3F9D]  }
0x1a: {  	s8 =	sadd.s32 $0xFFFFE003, lr  }
0x1b: {  	s9 =	sadd.s32 $0xFFFFFEF7, lr;
	s5 =	simm.s32 $0xFFFFFFFF;
	p2 =	slt.u32 s8, $0xFFFFF086  }
0x1c: {  	p1 =	slt.u32 s9, $0xF7A;
	s5 =	simm.s32 @!p2 $0x0  }
0x1d: {  	s5 =	simm.s32 @p1 $0x1;
	p0 =	seq.s32 s7, s2  }
0x1e: {  	s7 =	smul.u32 @!p0 $0xF7A, s2;
	p2 =	seq.s32 @!p0 s5, $0x0  }
0x1f: {  	s9 =	smul.u32 $0xF7A, s1;
	s8 =	simm.s32 @!p0 $0x1BF5;
	p2 =	por !p2, p0  }
0x20: {  	[sflag:s8] =	ssyncset.s32 @!p0 $0xFFFFF086;
	s6 =	sadd.s32 @!p0 s3, s7;
	s7 =	simm.s32 @!p0 $0x108  }
0x21: {  	s3 =	sadd.s32 s3, s9;
	s6 =	sadd.s32 @!p0 $0x88, s6;
	s7 =	simm.s32 @p2 $0x1082  }
0x22: {  	[simem:s7], [sflag:s8] =	dma.local @!p0 [hbm:s6], $0xF7A  }
0x23: {  	s9 =	sor.u32 $0xD0000000, s2;
	s6 =	simm.s32 $0x108;
	_ =	swait.ge @!p0 [sflag:s8], $0x0  }
0x24: {  	s3 =	sadd.s32 $0x88, s3;
	s6 =	simm.s32 @!p1 $0x1082;
	[sflag:s4] =	ssyncset.s32 $0xFFFFF086  }
0x25: {  	[simem:s6], [sflag:s4] =	dma.local [hbm:s3], $0xF7A  }
0x26: {  	[smem:$0x3F9D] =	sst s1;
	(tag) =	ssettag s2;
	_ =	strace s9  }
0x27: {  	s1 =	sld [smem:$0x3FAD]  }
0x28: {  	s2 =	sld [smem:$0x3FAE]  }
0x29: {  	s4 =	sld [smem:$0x3FB0]  }
0x2a: {  	p0 =	seq.s32 s5, $0x0;
	s5 =	sld [smem:$0x3FB1]  }
0x2b: {  	s6 =	sld [smem:$0x3FB2]  }
0x2c: {  	s7 =	sld [smem:$0x3FB3]  }
0x2d: {  	s3 =	simm.s32 $0x108;
	s8 =	sld [smem:$0x3FB4]  }
0x2e: {  	s3 =	simm.s32 @!p0 $0x1082;
	s9 =	sld [smem:$0x3FB5]  }
0x2f: {  	lr =	sadd.s32 s0, s3;
	s0 =	sld [smem:$0x3FAC]  }
0x30: {  	s3 =	sld [smem:$0x3FAF]  }
0x31: {  	[smem:$0x3FB8] =	sst s10  }
0x32: {  	s10 =	sld [smem:$0x3FB6];
	_ =	sdelay $0x3  }
0x33: {  	p0 =	seq.s32 s10, $0x1;
	s10 =	sld [smem:$0x3FB8];
	_ =	sdelay $0x3  }
0x34: {  	[smem:$0x3FB8] =	sst s10  }
0x35: {  	s10 =	sld [smem:$0x3FB7];
	_ =	sdelay $0x3  }
0x36: {  	p1 =	seq.s32 s10, $0x1;
	s10 =	sld [smem:$0x3FB8];
	_ =	sdelay $0x3  }
0x37: {  	[smem:$0x3FB8] =	sst s10  }
0x38: {  	s10 =	sld [smem:$0x3FB9]  }
0x39: {  	_ = 	snop;
	(pc) =	sbr.ind lr, $3  }
0x3a: {  	_ = 	snop  }
0x3b: {  	_ = 	snop  }
0x3c: {  	p2 =	seq.s32 s10, $0x1;
	s10 =	sld [smem:$0x3FB8]  }
0x3d: {  	_ =	shalt  }
0x3e: {  	_ =	shalt  }
0x3f: {  	_ =	shalt  }
0x40: {  	_ =	shalt  }
0x41: {  	_ =	shalt  }
0x42: {  	_ =	shalt  }
0x43: {  	_ =	shalt  }
0x44: {  	_ =	shalt  }
0x45: {  	_ =	shalt  }
0x46: {  	_ =	shalt  }
0x47: {  	_ =	shalt  }
0x48: {  	_ =	shalt  }
0x49: {  	_ =	shalt  }
0x4a: {  	_ =	shalt  }
0x4b: {  	_ =	shalt  }
0x4c: {  	_ =	shalt  }
0x4d: {  	_ =	shalt  }
0x4e: {  	_ =	shalt  }
0x4f: {  	_ =	shalt  }
0x50: {  	_ =	shalt  }
0x51: {  	_ =	shalt  }
0x52: {  	_ =	shalt  }
0x53: {  	_ =	shalt  }
0x54: {  	_ =	shalt  }
0x55: {  	_ =	shalt  }
0x56: {  	_ =	shalt  }
0x57: {  	_ =	shalt  }
0x58: {  	_ =	shalt  }
0x59: {  	_ =	shalt  }
0x5a: {  	_ =	shalt  }
0x5b: {  	_ =	shalt  }
0x5c: {  	_ =	shalt  }
0x5d: {  	_ =	shalt  }
0x5e: {  	_ =	shalt  }
0x5f: {  	_ =	shalt  }
0x60: {  	_ =	shalt  }
0x61: {  	_ =	shalt  }
0x62: {  	_ =	shalt  }
0x63: {  	_ =	shalt  }
0x64: {  	_ =	shalt  }
0x65: {  	_ =	shalt  }
0x66: {  	_ =	shalt  }
0x67: {  	_ =	shalt  }
0x68: {  	_ =	shalt  }
0x69: {  	_ =	shalt  }
0x6a: {  	_ =	shalt  }
0x6b: {  	_ =	shalt  }
0x6c: {  	_ =	shalt  }
0x6d: {  	_ =	shalt  }
0x6e: {  	_ =	shalt  }
0x6f: {  	_ =	shalt  }
0x70: {  	_ =	shalt  }
0x71: {  	_ =	shalt  }
0x72: {  	_ =	shalt  }
0x73: {  	_ =	shalt  }
0x74: {  	_ =	shalt  }
0x75: {  	_ =	shalt  }
0x76: {  	_ =	shalt  }
0x77: {  	_ =	shalt  }
0x78: {  	_ =	shalt  }
0x79: {  	_ =	shalt  }
0x7a: {  	_ =	shalt  }
0x7b: {  	_ =	shalt  }
0x7c: {  	_ =	shalt  }
0x7d: {  	_ =	shalt  }
0x7e: {  	_ =	shalt  }
0x7f: {  	_ =	shalt  }
0x80: {  	_ =	shalt  }
0x81: {  	_ =	shalt  }
0x82: {  	_ =	shalt  }
0x83: {  	_ =	shalt  }
0x84: {  	_ =	shalt  }
0x85: {  	_ =	shalt  }
0x86: {  	_ =	shalt  }
0x87: {  	_ =	shalt  }
.Lfunc_end0:
.L_simem_size_0:
called_computation.1_lowered:
.L_overlay_start_0:
0x88: {  	s2 =	sld [smem:$0x3FD9]  }
0x89: {  	s3 =	sld [smem:$0x3FFE];
	_ =	sdelay $0x1  }
0x8a: {  	s1 =	srdreg.scid  }
0x8b: {  	s0 =	sand.u32 $0x1, s1  }
0x8c: {  	s17 =	sshll.u32 s0, $0xA;
	s2 =	sadd.s32 s3, s2  }
0x8d: {  	s2 =	sadd.s32 s2, s17  }
0x8e: {  	[smem:$0x3FC4] =	sst s2  }
0x8f: {  	_ = 	snop  }
0x90: {  	s2 =	sld [smem:$0x3FD0];
	(tm) =	ssettm $0x1  }
0x91: {  	s18 =	sld [smem:$0x3FFB];
	_ =	sdelay $0x3  }
0x92: {  	_ =	strace s18  }
0x93: {  	s3 =	sld [smem:$0x3FFC];
	_ =	sdelay $0x3  }
0x94: {  	_ =	strace s3  }
0x95: {  	s3 =	sld [smem:$0x3FFD];
	_ =	sdelay $0x3  }
0x96: {  	_ =	strace s3  }
0x97: {  	_ =	strace $0x8FFFFFFF  }
0x98: {  	s19 =	sld [smem:$0x3FDB];
	_ =	sdelay $0x1  }
0x99: {  	s4 =	simm.s32 $_scs_section_size  }
0x9a: {  	s5 =	simm.s32 $_size__tile_overlayer_lowered;
	s6 =	simm.s32 $_tile_overlayer_lowered  }
0x9b: {  	s22 =	simm.s32 $0x1BFF;
	s21 =	sshll.u32 s6, $0x1;
	s3 =	sadd.s32 s4, s19  }
0x9c: {  	s7 =	simm.s32 $0x0;
	s20 =	sshll.u32 s5, $0x1;
	s5 =	sadd.s32 s21, s3  }
0x9d: {  	[timem:s7], [sflag:s22] =	dma.local [hbm:s5], s20  }
0x9e: {  	_ =	swait.ge [sflag:s22], s20  }
0x9f: {  	s4 =	ssub.s32 $0x0, s20;
	[sflag:s22] =	ssyncset.done $0x0  }
0xa0: {  	[sflag:s22] =	ssyncadd.s32 s4;
	_ =	sdelay $0x1  }
0xa1: {  	s23 =	simm.s32 $0x1B8B  }
0xa2: {  	_ =	swait.ge [sflag:s23], $0x1  }
0xa3: {  	[sflag:s23] =	ssyncset.done $0x0  }
0xa4: {  	s25 =	simm.s32 $0x1B8E;
	s24 =	sld [smem:$0x3FFE];
	[sflag:s23] =	ssyncadd.s32 $0xFFFFFFFF  }
0xa5: {  	s26 =	simm.s32 $execute0_lowered;
	[smem:$0x3FD2] =	sst s25  }
0xa6: {  	s5 =	sshll.u32 s26, $0x1;
	_ =	strace $0x80000049;
	[dreg:$0x1] =	wrdreg $0xFFFFFFFF  }
0xa7: {  	s28 =	simm.s32 $_size_execute0_lowered;
	s3 =	sadd.s32 s3, s5;
	[dreg:$0x0] =	wrdreg $0x0  }
0xa8: {  	s5 =	sshll.u32 s28, $0x1;
	[dreg:$0x2] =	wrdreg s3  }
0xa9: {  	[dreg:$0x3] =	wrdreg s5  }
0xaa: {  	[dreg:$0x4] =	wrdreg $0xC0  }
0xab: {  	_ =	task [dreg:s7], $0x5FFFF  }
0xac: {  	[dreg:$0x1] =	wrdreg $0xFFFFFFFF  }
0xad: {  	[dreg:$0x0] =	wrdreg $0x60  }
0xae: {  	[dreg:$0x2] =	wrdreg s24  }
0xaf: {  	[dreg:$0x3] =	wrdreg s2  }
0xb0: {  	[dreg:$0x4] =	wrdreg $0xC4000  }
0xb1: {  	[dreg:$0x5] =	wrdreg $0x9  }
0xb2: {  	_ =	task.clear_ibuf [dreg:s7], $0x6FFFF;
	_ =	strace $0x90000049  }
0xb3: {  	s29 =	simm.s32 $0x9;
	_ =	strace $0x8000004B  }
0xb4: {  	_ =	swait.ge [sflag:s29], $0x1  }
0xb5: {  	[sflag:s29] =	ssyncadd.s32 $0xFFFFFFFF  }
0xb6: {  	_ =	strace $0x9000004B  }
0xb7: {  	_ =	sfence  }
0xb8: {  	s30 =	sld [smem:$0x0];
	_ =	sdelay $0x2  }
0xb9: {  	s31 =	sshll.u32 s1, $0xD;
	s1 =	sshrl.u32 s1, $0x2  }
0xba: {  	s3 =	sand.u32 $0x4000, s31;
	s1 =	sadd.s32 s1, s30  }
0xbb: {  	s0 =	sor.u32 s3, s0;
	s1 =	sshll.u32 s1, $0x11  }
0xbc: {  	s0 =	sor.u32 s1, s0  }
0xbd: {  	s0 =	sadd.s32 $0x8F2B, s0  }
0xbe: {  	[sflag:s0] =	ssyncadd.remote.s32 $0x1  }
0xbf: {  	_ =	sfence.sel $0xFFFF  }
0xc0: {  	[dreg:$0x0] =	wrdreg $0xFFFFFFFF;
	(pc) =	sbr.abs _section_cstart, $3  }
0xc1: {  	[dreg:$0x1] =	wrdreg $0xFFFFFFFF  }
0xc2: {  	_ =	task.clear_ibuf [dreg:s7], $0x2FFFF;
	_ =	strace $0x9FFFFFFF  }
0xc3: {  	(tm) =	ssettm $0x7FFFFFFF  }
tec
execute0_lowered:
.L_overlay_start_1:
0x0: {  	(tag) =	ssettag $0x1  }
0x1: {  	s2 =	rddreg [dreg:$0x0]  }
0x2: {  	s5 =	rddreg [dreg:$0x1]  }
0x3: {  	s3 =	rddreg [dreg:$0x2]  }
0x4: {  	s0 =	stileid.u32;
	s4 =	srdreg.scid  }
0x5: {  	s1 =	rddreg [dreg:$0x3];
	s15 =	simm.s32 $0x2C00;
	s16 =	simm.s32 $0x5800  }
0x6: {  	s17 =	simm.s32 $0x8400;
	s18 =	simm.s32 $0x2;
	s19 =	simm.s32 $0x1  }
0x7: {  	s20 =	simm.s32 $0x80;
	s21 =	simm.s32 $0x0;
	s6 =	smul.u32 $0x278, s0  }
0x8: {  	s7 =	sand.u32 $0x1, s4;
	s8 =	sshll.u32 s0, $0x1;
	s4 =	simm.s32 $0x0  }
0x9: {  	s9 =	smul.u32 $0x138C00, s7;
	s8 =	sor.u32 s7, s8;
	[smem:$0x7FF] =	sst s4  }
0xa: {  	s7 =	ssub.s32 $0x2, s7;
	s6 =	smin.u32 s6, $0x24A0;
	s8 =	smul.u32 $0x580, s8  }
0xb: {  	_ =	strace $0x8000004A;
	s31 =	sshrl.u32 s7, $0x1;
	s6 =	sshll.u32 s6, $0x7  }
0xc: {  	s14 =	ssub.s32 s7, s31;
	s9 =	sadd.s32 s9, s6;
	s10 =	sadd.s32 s8, s2  }
0xd: {  	s5 =	sadd.s32 s5, s8;
	s6 =	sadd.s32 s6, s3;
	s14 =	smax.u32 s14, $0x1  }
0xe: {  	s9 =	sshrl.u32 s9, $0x3;
	s7 =	sadd.s32 $0x28400, s10;
	s8 =	sadd.s32 $0x33E00, s10  }
0xf: {  	s10 =	sadd.s32 $0x8000, s6;
	s11 =	sadd.s32 $0xC000, s6;
	s13 =	sadd.s32 s9, s2  }
0x10: {  	v0 =	vimm.f32 $0.0e+00;
	s12 =	sadd.s32 $0x10000, s6;
	s9 =	sadd.s32 $0x4000, s6;
	s13 =	sadd.s32 $0x3EE00, s13  }
.LBB2_1:
0x11: {  	[tilespmem:s4], [sflag:$0x1] =	stream.linear.gather [hbm4b:s5+s4], $0x2880, $0x38;
	[tilespmem:$0x1FCC0] =	vst v63  }
0x12: {  	_ = 	snop  }
0x13: {  	[tilespmem:s15], [sflag:$0x1] =	stream.linear.gather [hbm4b:s7+s4], $0x2880, $0x38;
	[tilespmem:$0x1FCC0] =	vst v63  }
0x14: {  	s22 =	simm.s32 $0x0;
	s23 =	simm.s32 $0x200  }
0x15: {  	[tilespmem:s16], [sflag:$0x1] =	stream.linear.gather [hbm4b:s8+s4], $0x2880, $0x38;
	[tilespmem:$0x1FCC0] =	vst v63  }
.LBB2_2:
0x16: {  	p0 =	sne.s32 s23, $0xFE00;
	[tilespmem:s22+$0x8470] =	vst v0  }
0x17: {  	[tilespmem:s22+$0x8400] =	vst v0  }
0x18: {  	[tilespmem:s22+$0x8410] =	vst v0  }
.Ltmp0:
0x19: {  	[tilespmem:s22+$0x8420] =	vst v0;
	(pc) =	sbr.rel @p0 .LBB2_2-.Ltmp0, $4  }
0x1a: {  	[tilespmem:s22+$0x8430] =	vst v0  }
0x1b: {  	[tilespmem:s22+$0x8440] =	vst v0  }
0x1c: {  	[tilespmem:s22+$0x8450] =	vst v0  }
0x1d: {  	[tilespmem:s22+$0x8460] =	vst v0;
	s22 =	sshra.s32 s23, $0x2;
	s23 =	sadd.s32 $0x200, s23  }
0x1e: {  	[tilespmem:s22+$0x8470] =	vst v0  }
0x1f: {  	[tilespmem:s22+$0x8400] =	vst v0  }
0x20: {  	[tilespmem:s22+$0x8410] =	vst v0  }
0x21: {  	[tilespmem:s22+$0x8420] =	vst v0  }
0x22: {  	[tilespmem:s22+$0x8430] =	vst v0  }
0x23: {  	[tilespmem:s22+$0x8440] =	vst v0  }
0x24: {  	[tilespmem:s22+$0x8450] =	vst v0  }
0x25: {  	[tilespmem:s22+$0x8460] =	vst v0  }
0x26: {  	[spmem:s6] =	stream.linear.scatter [tilespmem:s17], [sflag:$0x2], $0x4000, $0x38;
	[tilespmem:$0x1FCC0] =	vst v63  }
0x27: {  	_ =	swait.ge [sflag:s18], $0x4000  }
0x28: {  	[sflag:s18] =	ssyncset.done $0x0  }
0x29: {  	[sflag:s18] =	ssyncadd.s32 $0xFFFFC000  }
0x2a: {  	[spmem:s9] =	stream.linear.scatter [tilespmem:s17], [sflag:$0x2], $0x4000, $0x38;
	[tilespmem:$0x1FCC0] =	vst v63  }
0x2b: {  	_ =	swait.ge [sflag:s18], $0x4000  }
0x2c: {  	[sflag:s18] =	ssyncset.done $0x0  }
0x2d: {  	[sflag:s18] =	ssyncadd.s32 $0xFFFFC000  }
0x2e: {  	[spmem:s10] =	stream.linear.scatter [tilespmem:s17], [sflag:$0x2], $0x4000, $0x38;
	[tilespmem:$0x1FCC0] =	vst v63  }
0x2f: {  	_ =	swait.ge [sflag:s18], $0x4000  }
0x30: {  	[sflag:s18] =	ssyncset.done $0x0  }
0x31: {  	[sflag:s18] =	ssyncadd.s32 $0xFFFFC000  }
0x32: {  	[spmem:s11] =	stream.linear.scatter [tilespmem:s17], [sflag:$0x2], $0x4000, $0x38;
	[tilespmem:$0x1FCC0] =	vst v63  }
0x33: {  	_ =	swait.ge [sflag:s18], $0x4000  }
0x34: {  	[sflag:s18] =	ssyncset.done $0x0  }
0x35: {  	[sflag:s18] =	ssyncadd.s32 $0xFFFFC000  }
0x36: {  	[spmem:s12] =	stream.linear.scatter [tilespmem:s17], [sflag:$0x2], $0x3C00, $0x38;
	[tilespmem:$0x1FCC0] =	vst v63  }
0x37: {  	_ =	swait.ge [sflag:s18], $0x3C00  }
0x38: {  	[sflag:s18] =	ssyncset.done $0x0  }
0x39: {  	[sflag:s18] =	ssyncadd.s32 $0xFFFFC400  }
0x3a: {  	_ =	swait.ge [sflag:s19], $0x2880  }
0x3b: {  	[sflag:s19] =	ssyncset.done $0x0  }
0x3c: {  	[sflag:s19] =	ssyncadd.s32 $0xFFFFD780  }
0x3d: {  	_ =	swait.ge [sflag:s19], $0x2880  }
0x3e: {  	[sflag:s19] =	ssyncset.done $0x0  }
0x3f: {  	[sflag:s19] =	ssyncadd.s32 $0xFFFFD780  }
0x40: {  	_ =	swait.ge [sflag:s19], $0x2880  }
0x41: {  	[sflag:s19] =	ssyncset.done $0x0  }
0x42: {  	[sflag:s19] =	ssyncadd.s32 $0xFFFFD780  }
0x43: {  	s22 =	simm.s32 $0x0;
	s23 =	simm.s32 $0x0;
	[bflag:$0x0] =	sbarrier.arrive $0xFFFF  }
.LBB2_4:
0x44: {  	s24 =	sshll.u32 s23, $0x7  }
0x45: {  	s25 =	sadd.s32 $0x2C00, s24  }
0x46: {  	v2 =	vmov s22;
	[tilespmem:s17], [sflag:$0x1] =	stream.indirect.gather [hbm4b:s2+s20], $0x80, s25, s20, $0xb8;
	[tilespmem:$0x1FCC0] =	vst v63  }
0x47: {  	v1 =	vmov s24;
	v2 =	vand.u32 $0x7E, v2;
	_ =	swait.ge [sflag:s19], $0x4000  }
0x48: {  	v2 =	vor.u32 v1, v2;
	[sflag:s19] =	ssyncset.done $0x0  }
0x49: {  	s25 =	simm.s32 $0x8480;
	v2 =	vbroadcast v2, $0x0;
	[sflag:s19] =	ssyncadd.s32 $0xFFFFC000  }
0x4a: {  	v7 =	vld [tilespmem:s25+$0x70]  }
0x4b: {  	v4 =	vld [tilespmem:s25+$0xFFFFFFD0]  }
0x4c: {  	s26 =	simm.s32 $0x1;
	v5 =	vld [tilespmem:s25+$0xFFFFFFF0]  }
0x4d: {  	v3 =	vmov s26;
	v6 =	vld [tilespmem:s25+$0xFFFFFFB0]  }
0x4e: {  	v3 =	vand.u32 $0x7F, v3;
	v9 =	vld [tilespmem:s25+$0xFFFFFFA0]  }
0x4f: {  	v8 =	vld.idx.msk [tilespmem:v2+s16+$0x0], $0xffff;
	v2 =	vor.u32 v1, v3  }
0x50: {  	v3 =	vld [tilespmem:s25+$0xFFFFFF80];
	v2 =	vbroadcast v2, $0x0  }
0x51: {  	v10 =	vld [tilespmem:s25+$0xFFFFFF90]  }
0x52: {  	v11 =	vld [tilespmem:s25+$0xFFFFFFC0]  }
0x53: {  	v12 =	vld [tilespmem:s25+$0xFFFFFFE0]  }
0x54: {  	v13 =	vld [tilespmem:s25+$0x50]  }
0x55: {  	v63 =	vld [tilespmem:s25+$0x20];
	v14 =	vmul.f32 v3, v8  }
0x56: {  	v4 =	vmul.f32 v4, v8;
	v3 =	vld.idx.msk [tilespmem:v2+s16+$0x0], $0xffff  }
0x57: {  	v6 =	vmul.f32 v6, v8;
	v2 =	vmul.f32 v9, v8;
	v9 =	vld [tilespmem:s25+$0x0];
	[tilespmem:s25+$0xFFFFFF80] =	vst v14  }
0x58: {  	v15 =	vmul.f32 v5, v8;
	v5 =	vld [tilespmem:s25+$0x10];
	[tilespmem:s25+$0xFFFFFFD0] =	vst v4  }
0x59: {  	v11 =	vmul.f32 v11, v8;
	[tilespmem:s25+$0xFFFFFFB0] =	vst v6;
	v6 =	vld [tilespmem:s25+$0x60]  }
0x5a: {  	v4 =	vmul.f32 v10, v8;
	v10 =	vmul.f32 v12, v8;
	[tilespmem:s25+$0xFFFFFFF0] =	vst v15;
	v8 =	vld [tilespmem:s25+$0x40]  }
0x5b: {  	[tilespmem:s25+$0xFFFFFFA0] =	vst v2;
	v2 =	vld [tilespmem:s25+$0x30]  }
0x5c: {  	[tilespmem:s25+$0xFFFFFFC0] =	vst v11;
	v9 =	vmul.f32 v9, v3;
	v11 =	vmul.f32 v7, v3  }
0x5d: {  	s28 =	simm.s32 $0x8480;
	s26 =	simm.s32 $0x2;
	[tilespmem:s25+$0xFFFFFFE0] =	vst v10;
	v7 =	vmul.f32 v63, v3;
	v10 =	vmul.f32 v13, v3  }
.LBB2_5:
0x5e: {  	p0 =	sne.s32 s26, $0x7E  }
0x5f: {  	v12 =	vmov s26;
	[tilespmem:s25+$0xFFFFFF90] =	vst v4;
	v4 =	vmul.f32 v5, v3;
	v5 =	vmul.f32 v6, v3;
	s28 =	sadd.s32 $0x100, s28;
	s29 =	smov.u32 s26;
	s26 =	sadd.s32 $0x2, s26  }
0x60: {  	v2 =	vmul.f32 v2, v3;
	v6 =	vand.u32 $0x7E, v12;
	v3 =	vmul.f32 v8, v3;
	[tilespmem:s25+$0x70] =	vst v11  }
0x61: {  	v6 =	vor.u32 v1, v6;
	[tilespmem:s25+$0x0] =	vst v9  }
0x62: {  	v6 =	vbroadcast v6, $0x0;
	v11 =	vld [tilespmem:s28+$0x70];
	[tilespmem:s25+$0x50] =	vst v10  }
0x63: {  	v8 =	vld [tilespmem:s28+$0xFFFFFFD0];
	[tilespmem:s25+$0x20] =	vst v7  }
0x64: {  	v7 =	vld [tilespmem:s28+$0xFFFFFFF0];
	[tilespmem:s25+$0x30] =	vst v2  }
0x65: {  	s29 =	sadd.s32 $0x1, s29;
	v2 =	vld [tilespmem:s28+$0x30];
	[tilespmem:s25+$0x40] =	vst v3  }
0x66: {  	v3 =	vmov s29;
	v9 =	vld [tilespmem:s28+$0xFFFFFFB0];
	[tilespmem:s25+$0x60] =	vst v5  }
0x67: {  	v3 =	vand.u32 $0x7F, v3;
	v5 =	vld [tilespmem:s28+$0xFFFFFF90];
	[tilespmem:s25+$0x10] =	vst v4;
	s25 =	smov.u32 s28  }
0x68: {  	v3 =	vor.u32 v1, v3;
	v6 =	vld.idx.msk [tilespmem:v6+s16+$0x0], $0xffff  }
0x69: {  	v3 =	vbroadcast v3, $0x0;
	v4 =	vld [tilespmem:s28+$0xFFFFFF80]  }
0x6a: {  	v10 =	vld [tilespmem:s28+$0xFFFFFFA0]  }
0x6b: {  	v12 =	vld [tilespmem:s28+$0xFFFFFFC0]  }
0x6c: {  	v13 =	vld [tilespmem:s28+$0xFFFFFFE0]  }
0x6d: {  	v14 =	vld [tilespmem:s28+$0x50]  }
0x6e: {  	v15 =	vmul.f32 v4, v6;
	v4 =	vmul.f32 v5, v6;
	v16 =	vld [tilespmem:s28+$0x0]  }
0x6f: {  	v9 =	vmul.f32 v9, v6;
	v3 =	vld.idx.msk [tilespmem:v3+s16+$0x0], $0xffff;
	v5 =	vmul.f32 v10, v6  }
0x70: {  	v8 =	vmul.f32 v8, v6;
	[tilespmem:s28+$0xFFFFFF80] =	vst v15;
	v10 =	vmul.f32 v12, v6;
	v12 =	vld [tilespmem:s28+$0x20]  }
0x71: {  	v7 =	vmul.f32 v7, v6;
	[tilespmem:s28+$0xFFFFFFA0] =	vst v5;
	v13 =	vmul.f32 v13, v6;
	v6 =	vld [tilespmem:s28+$0x60]  }
.Ltmp1:
0x72: {  	[tilespmem:s28+$0xFFFFFFD0] =	vst v8;
	v5 =	vld [tilespmem:s28+$0x10];
	(pc) =	sbr.rel @p0 .LBB2_5-.Ltmp1, $4  }
0x73: {  	[tilespmem:s28+$0xFFFFFFB0] =	vst v9;
	v8 =	vld [tilespmem:s28+$0x40]  }
0x74: {  	[tilespmem:s28+$0xFFFFFFF0] =	vst v7  }
0x75: {  	v9 =	vmul.f32 v16, v3;
	v11 =	vmul.f32 v11, v3;
	[tilespmem:s28+$0xFFFFFFC0] =	vst v10  }
0x76: {  	v7 =	vmul.f32 v12, v3;
	v10 =	vmul.f32 v14, v3;
	[tilespmem:s28+$0xFFFFFFE0] =	vst v13  }
0x77: {  	[tilespmem:s25+$0xFFFFFF90] =	vst v4  }
0x78: {  	[tilespmem:s25+$0x70] =	vst v11  }
0x79: {  	[tilespmem:s25+$0x0] =	vst v9  }
0x7a: {  	v1 =	vmul.f32 v2, v3;
	[tilespmem:s25+$0x50] =	vst v10  }
0x7b: {  	v63 =	vmul.f32 v6, v3;
	[tilespmem:s25+$0x20] =	vst v7  }
0x7c: {  	v2 =	vmul.f32 v8, v3;
	[tilespmem:s25+$0x30] =	vst v1  }
0x7d: {  	s23 =	sadd.s32 $0x1, s23;
	v1 =	vmul.f32 v5, v3;
	[tilespmem:s25+$0x60] =	vst v63  }
0x7e: {  	p0 =	sne.s32 s23, $0x51;
	[tilespmem:s25+$0x40] =	vst v2  }
.Ltmp2:
0x7f: {  	[tilespmem:s25+$0x10] =	vst v1;
	(pc) =	sbr.rel @p0 .LBB2_4-.Ltmp2, $4  }
0x80: {  	[spmem:s3] =	stream.indirect.scatter.add.f32 [tilespmem:s17], [sflag:$0x2], $0x80, s24, s20, $0xb8;
	[tilespmem:$0x1FCC0] =	vst v63  }
0x81: {  	_ =	swait.ge [sflag:s18], $0x4000  }
0x82: {  	[sflag:s18] =	ssyncset.done $0x0  }
0x83: {  	[sflag:s18] =	ssyncadd.s32 $0xFFFFC000  }
0x84: {  	s21 =	sadd.s32 $0x1, s21  }
0x85: {  	s22 =	sshll.u32 s0, $0x6;
	[bflag:$0x0] =	sbarrier.arrive $0xFFFF;
	p0 =	sne.s32 s21, s14  }
.Ltmp3:
0x86: {  	s23 =	sshrl.u32 s6, $0x3;
	s22 =	sor.u32 $0x1C02, s22;
	(pc) =	sbr.rel @p0 .LBB2_1-.Ltmp3, $4  }
0x87: {  	[hbm:s13], [sflag:s22] =	dma.local [spmem:s23], $0x2780  }
0x88: {  	_ =	swait.ge [sflag:s18], $0x2780  }
0x89: {  	[sflag:s18] =	ssyncset.done $0x0  }
0x8a: {  	[sflag:s18] =	ssyncadd.s32 $0xFFFFD880  }
0x8b: {  	_ =	sfence.sel $0x180000  }
0x8c: {  	[bflag:$0x0] =	sbarrier.arrive $0xFFFF  }
0x8d: {  	p0 =	sne.s32 s0, $0x0;
	_ =	strace $0x9000004A  }
0x8e: {  	s0 =	sadd.s32 @!p0 $0x100000, s1;
	[bflag:$0x2] =	sbarrier.arrive $0xFFFF  }
0x8f: {  	[sflag:s0] =	ssyncadd.tile.s32 @!p0 $0x1;
	_ =	shalt  }
.Lfunc_end2:
_tile_overlayer_lowered:
.L_overlay_start_2:
0x90: {  	(tag) =	ssettag $0x2  }
0x91: {  	s0 =	rddreg [dreg:$0x0];
	s2 =	stileid.u32  }
0x92: {  	s1 =	rddreg [dreg:$0x1];
	p0 =	sne.s32 s2, $0x0  }
0x93: {  	s3 =	rddreg [dreg:$0x2];
	[bflag:$0x3] =	sbarrier.arrive $0xFFFF;
	s2 =	simm.s32 @!p0 $0x1C02  }
0x94: {  	[timem:s3], [sflag:s2] =	dma.local @!p0 [hbm:s0], s1  }
0x95: {  	s0 =	simm.s32 @!p0 $0x2  }
0x96: {  	_ =	swait.ge @!p0 [sflag:s0], s1  }
0x97: {  	s1 =	ssub.s32 @!p0 $0x0, s1;
	[sflag:s0] =	ssyncset.done @!p0 $0x0  }
0x98: {  	[sflag:s0] =	ssyncadd.s32 @!p0 s1  }
0x99: {  	[bflag:$0x3] =	sbarrier.arrive $0xFFFF  }
0x9a: {  	_ =	shalt  }

</sc_bundles>
